<compile_context>
chip_gen: v7x
topology: tpu7x:2x2x1
jax: 0.10.2.dev20260603
libtpu: 0.0.44.dev20260713+nightly
codegen_flags: <defaults>
</compile_context>

<pallas_src>
import functools

import jax
import jax.numpy as jnp
from jax import lax
from jax.experimental import pallas as pl
from jax.experimental.pallas import tpu as pltpu
from jax.experimental.pallas import tpu_sc as plsc

_E = 64
_K = 2
_H = 1024
_F = 512
_T = 256
_LANES = 16
_NW = 16
_EPG = 2


def _logits_body(x_ref, w_ref, lt_ref):
    x = x_ref[...]
    w = w_ref[...]
    logits = jax.lax.dot_general(
        x, w, (((1,), (1,)), ((), ())),
        preferred_element_type=jnp.float32)
    lt_ref[...] = logits.T


def _sc_route_body(lt_hbm, pk_hbm, w1_hbm, stage, o_pk, o_w1):
    wid = lax.axis_index("c") * 16 + lax.axis_index("s")

    @pl.when(wid < _NW)
    def _():
        base = wid * _LANES
        pltpu.sync_copy(lt_hbm, stage)
        neg = jnp.full((_LANES,), -3e38, jnp.float32)
        zero_i = jnp.zeros((_LANES,), jnp.int32)
        m1, m2, i1, i2 = neg, neg, zero_i, zero_i
        for e in range(_E):
            ev = jnp.full((_LANES,), e, jnp.int32)
            v = stage[e, pl.ds(base, _LANES)]
            gt1 = v > m1
            gt2 = v > m2
            m2 = jnp.where(gt1, m1, jnp.where(gt2, v, m2))
            i2 = jnp.where(gt1, i1, jnp.where(gt2, ev, i2))
            m1 = jnp.where(gt1, v, m1)
            i1 = jnp.where(gt1, ev, i1)
        o_pk[...] = i1 * _E + i2
        o_w1[...] = 1.0 / (1.0 + jnp.exp(m2 - m1))
        pltpu.sync_copy(o_pk, pk_hbm.at[pl.ds(base, _LANES)])
        pltpu.sync_copy(o_w1, w1_hbm.at[pl.ds(base, _LANES)])


def _moe_body(pk_ref, w1_ref, x_ref, up_ref, dn_ref, o_ref):
    g = pl.program_id(0)

    @pl.when(g == 0)
    def _init():
        o_ref[...] = jnp.zeros_like(o_ref)

    xb = x_ref[...].astype(jnp.bfloat16)
    pk = pk_ref[...]
    w1 = w1_ref[...]
    i1 = pk // _E
    i2 = pk - i1 * _E
    acc = jnp.zeros_like(o_ref)
    for j in range(_EPG):
        e = g * _EPG + j
        up = up_ref[j].astype(jnp.bfloat16)
        h = jnp.dot(xb, up, preferred_element_type=jnp.float32)
        h1 = h[:, :_F]
        h2 = h[:, _F:]
        act = (h1 * jax.nn.sigmoid(h1) * h2).astype(jnp.bfloat16)
        dn = dn_ref[j].astype(jnp.bfloat16)
        y = jnp.dot(act, dn, preferred_element_type=jnp.float32)
        col = (jnp.where(i1 == e, w1, 0.0)
               + jnp.where(i2 == e, 1.0 - w1, 0.0))
        acc += col * y
    o_ref[...] += acc


def _sc_route(logits):
    mesh = plsc.VectorSubcoreMesh(core_axis_name="c", subcore_axis_name="s")
    f = pl.kernel(
        _sc_route_body,
        mesh=mesh,
        out_type=(
            jax.ShapeDtypeStruct((_T,), jnp.int32),
            jax.ShapeDtypeStruct((_T,), jnp.float32),
        ),
        scratch_types=[
            pltpu.VMEM((_E, _T), jnp.float32),
            pltpu.VMEM((_LANES,), jnp.int32),
            pltpu.VMEM((_LANES,), jnp.float32),
        ],
    )
    return f(logits)


def kernel(x, router_w, up_proj, down_proj):
    b, s, h = x.shape
    xf = x.reshape(-1, h)
    t = xf.shape[0]

    logits_t = pl.pallas_call(
        _logits_body,
        out_shape=jax.ShapeDtypeStruct((_E, t), jnp.float32),
    )(xf, router_w)

    pk, w1 = _sc_route(logits_t)
    pk = pk.reshape(t, 1)
    w1 = w1.reshape(t, 1)

    out = pl.pallas_call(
        _moe_body,
        grid=(_E // _EPG,),
        in_specs=[
            pl.BlockSpec((t, 1), lambda e: (0, 0)),
            pl.BlockSpec((t, 1), lambda e: (0, 0)),
            pl.BlockSpec((t, h), lambda e: (0, 0)),
            pl.BlockSpec((_EPG, _H, 2 * _F), lambda e: (e, 0, 0)),
            pl.BlockSpec((_EPG, _F, _H), lambda e: (e, 0, 0)),
        ],
        out_specs=pl.BlockSpec((t, h), lambda e: (0, 0)),
        out_shape=jax.ShapeDtypeStruct((t, h), jnp.float32),
    )(pk, w1, xf, up_proj, down_proj)

    return out.reshape(b, s, h)

# --- scband reference (transcript-rebuilt; emitter-appended) ---
"""Pipeline reference for scband-mo-efeed-forward-aoquantizable-6605659701456 (READ-ONLY COPY).

The authoritative reference and input builder live on the scoring server;
editing this copy changes nothing except your own understanding.
"""

import jax, jax.numpy as jnp
import numpy as np

NUM_EXPERTS = 64
TOP_K = 2
HIDDEN = 1024
EXPERT_DIM = 512
B, S = 32, 8


def setup_inputs(seed: int = 0) -> dict:
    key = jax.random.key(seed)
    k1, k2, k3, k4 = jax.random.split(key, 4)
    x = jax.random.normal(k1, (B, S, HIDDEN), dtype=jnp.float32)
    router_w = jax.random.normal(k2, (NUM_EXPERTS, HIDDEN), dtype=jnp.float32) * 0.02
    up_proj = jax.random.normal(k3, (NUM_EXPERTS, HIDDEN, 2 * EXPERT_DIM), dtype=jnp.float32) * 0.02
    down_proj = jax.random.normal(k4, (NUM_EXPERTS, EXPERT_DIM, HIDDEN), dtype=jnp.float32) * 0.02
    return {"x": x, "router_w": router_w, "up_proj": up_proj, "down_proj": down_proj}


def _moe_forward(x, router_w, up_proj, down_proj):
    b, s, h = x.shape
    xf = x.reshape(-1, h)
    T = xf.shape[0]
    # router: nn.Linear(hidden_dim, num_experts, bias=False)
    logits = xf @ router_w.T
    probs = jax.nn.softmax(logits, axis=-1)
    scores, expert_indices = jax.lax.top_k(probs, TOP_K)
    scores = scores / jnp.sum(scores, axis=-1, keepdims=True)
    # dense routing matrix [T, E]: weight for each (token, expert) pair, zero if not routed
    route = jnp.zeros((T, NUM_EXPERTS), dtype=x.dtype)
    route = route.at[jnp.arange(T)[:, None], expert_indices].add(scores)

    # moe_kernel: per expert e, h = x @ up_proj[e]; h1, h2 = chunk(h, 2);
    # y = (silu(h1) * h2) @ down_proj[e]; out = sum_e route[:, e] * y
    def body(acc, inp):
        up_e, down_e, r_e = inp
        hcat = xf @ up_e
        h1 = hcat[:, :EXPERT_DIM]
        h2 = hcat[:, EXPERT_DIM:]
        y = (jax.nn.silu(h1) * h2) @ down_e
        return acc + r_e[:, None] * y, None

    acc0 = jnp.zeros_like(xf)
    out, _ = jax.lax.scan(body, acc0, (up_proj, down_proj, route.T))
    return out.reshape(b, -1, h)


def reference(x, router_w, up_proj, down_proj):
    return _moe_forward(x, router_w, up_proj, down_proj)

if __name__ == "__main__":
    import jax
    _d = setup_inputs()
    print(jax.jit(kernel)(*tuple(_d.values())))

</pallas_src>

<mosaic_0001>
#map = affine_map<(d0, d1) -> (0, 0)>
#map1 = affine_map<(d0, d1) -> (0)>
module attributes {stable_mosaic.version = 14 : i64} {
  func.func @_sc_route_body(%arg0: i32, %arg1: i32, %arg2: memref<64x256xf32, #tpu.memory_space<hbm>>, %arg3: memref<256xi32, #tpu.memory_space<hbm>>, %arg4: memref<256xf32, #tpu.memory_space<hbm>>, %arg5: memref<64x256xf32, #tpu.memory_space<vmem>>, %arg6: memref<16xi32, #tpu.memory_space<vmem>>, %arg7: memref<16xf32, #tpu.memory_space<vmem>>) attributes {dimension_semantics = [#tpu.dimension_semantics<core_parallel>, #tpu.dimension_semantics<subcore_parallel>], iteration_bounds = array<i64: 2, 16>, scalar_prefetch = 0 : i64, scratch_operands = 3 : i64, tpu.core_type = #tpu.core_type<sc_vector_subcore>, window_params = [{transform_indices = #map}, {transform_indices = #map1}, {transform_indices = #map1}]} {
    %mul3A = arith.constant 16 : i32
    %mul3A_0 = arith.muli %arg0, %mul3A : i32
    %add3A = arith.addi %mul3A_0, %arg1 : i32
    %lt3A = arith.constant 16 : i32
    %lt3A_1 = arith.cmpi slt, %add3A, %lt3A : i32
    %convert_element_type3A = arith.extui %lt3A_1 : i1 to i32
    %cond3A = arith.constant 0 : i32
    %cond3A_2 = arith.cmpi ne, %convert_element_type3A, %cond3A : i32
    scf.if %cond3A_2 {
      %mul3A_3 = arith.constant 16 : i32
      %mul3A_4 = arith.muli %add3A, %mul3A_3 : i32
      "tpu.region"() ({
        %run_scoped3A = tpu.sem_alloc : memref<!tpu.dma_semaphore, #tpu.memory_space<semaphore_mem>>
        tpu.enqueue_dma source(%arg2 : memref<64x256xf32, #tpu.memory_space<hbm>>) target(%arg5 : memref<64x256xf32, #tpu.memory_space<vmem>>) target_semaphore(%run_scoped3A : memref<!tpu.dma_semaphore, #tpu.memory_space<semaphore_mem>>)
        tpu.wait_dma2 semaphore(%run_scoped3A : memref<!tpu.dma_semaphore, #tpu.memory_space<semaphore_mem>>) src(%arg2 : memref<64x256xf32, #tpu.memory_space<hbm>>) dst(%arg5 : memref<64x256xf32, #tpu.memory_space<vmem>>)
        tpu.yield
      }) : () -> ()
      %broadcast_in_dim3A = arith.constant -3.000000e+38 : f32
      %broadcast_in_dim3A_5 = vector.broadcast %broadcast_in_dim3A : f32 to vector<16xf32>
      %broadcast_in_dim3A_6 = arith.constant 0 : i32
      %broadcast_in_dim3A_7 = vector.broadcast %broadcast_in_dim3A_6 : i32 to vector<16xi32>
      %broadcast_in_dim3A_8 = arith.constant 0 : i32
      %broadcast_in_dim3A_9 = vector.broadcast %broadcast_in_dim3A_8 : i32 to vector<16xi32>
      %get3A = arith.constant 0 : i32
      %get3A_10 = arith.index_cast %get3A : i32 to index
      %get3A_11 = arith.index_cast %mul3A_4 : i32 to index
      %get3A_12 = tpu.vector_load %arg5[%get3A_10, %get3A_11] {strides = array<i32>} : memref<64x256xf32, #tpu.memory_space<vmem>>, vector<1x16xf32>,
      %get3A_13 = vector.shape_cast %get3A_12 : vector<1x16xf32> to vector<16xf32>
      %gt3A = arith.cmpf ogt, %get3A_13, %broadcast_in_dim3A_5 : vector<16xf32>
      %gt3A_14 = arith.cmpf ogt, %get3A_13, %broadcast_in_dim3A_5 : vector<16xf32>
      %select_n3A = arith.select %gt3A_14, %get3A_13, %broadcast_in_dim3A_5 : vector<16xi1>, vector<16xf32>
      %select_n3A_15 = arith.select %gt3A, %broadcast_in_dim3A_5, %select_n3A : vector<16xi1>, vector<16xf32>
      %select_n3A_16 = arith.select %gt3A_14, %broadcast_in_dim3A_9, %broadcast_in_dim3A_7 : vector<16xi1>, vector<16xi32>
      %select_n3A_17 = arith.select %gt3A, %broadcast_in_dim3A_7, %select_n3A_16 : vector<16xi1>, vector<16xi32>
      %select_n3A_18 = arith.select %gt3A, %get3A_13, %broadcast_in_dim3A_5 : vector<16xi1>, vector<16xf32>
      %select_n3A_19 = arith.select %gt3A, %broadcast_in_dim3A_9, %broadcast_in_dim3A_7 : vector<16xi1>, vector<16xi32>
      %broadcast_in_dim3A_20 = arith.constant 1 : i32
      %broadcast_in_dim3A_21 = vector.broadcast %broadcast_in_dim3A_20 : i32 to vector<16xi32>
      %get3A_22 = arith.constant 1 : i32
      %get3A_23 = arith.index_cast %get3A_22 : i32 to index
      %get3A_24 = arith.index_cast %mul3A_4 : i32 to index
      %get3A_25 = tpu.vector_load %arg5[%get3A_23, %get3A_24] {strides = array<i32>} : memref<64x256xf32, #tpu.memory_space<vmem>>, vector<1x16xf32>,
      %get3A_26 = vector.shape_cast %get3A_25 : vector<1x16xf32> to vector<16xf32>
      %gt3A_27 = arith.cmpf ogt, %get3A_26, %select_n3A_18 : vector<16xf32>
      %gt3A_28 = arith.cmpf ogt, %get3A_26, %select_n3A_15 : vector<16xf32>
      %select_n3A_29 = arith.select %gt3A_28, %get3A_26, %select_n3A_15 : vector<16xi1>, vector<16xf32>
      %select_n3A_30 = arith.select %gt3A_27, %select_n3A_18, %select_n3A_29 : vector<16xi1>, vector<16xf32>
      %select_n3A_31 = arith.select %gt3A_28, %broadcast_in_dim3A_21, %select_n3A_17 : vector<16xi1>, vector<16xi32>
      %select_n3A_32 = arith.select %gt3A_27, %select_n3A_19, %select_n3A_31 : vector<16xi1>, vector<16xi32>
      %select_n3A_33 = arith.select %gt3A_27, %get3A_26, %select_n3A_18 : vector<16xi1>, vector<16xf32>
      %select_n3A_34 = arith.select %gt3A_27, %broadcast_in_dim3A_21, %select_n3A_19 : vector<16xi1>, vector<16xi32>
      %broadcast_in_dim3A_35 = arith.constant 2 : i32
      %broadcast_in_dim3A_36 = vector.broadcast %broadcast_in_dim3A_35 : i32 to vector<16xi32>
      %get3A_37 = arith.constant 2 : i32
      %get3A_38 = arith.index_cast %get3A_37 : i32 to index
      %get3A_39 = arith.index_cast %mul3A_4 : i32 to index
      %get3A_40 = tpu.vector_load %arg5[%get3A_38, %get3A_39] {strides = array<i32>} : memref<64x256xf32, #tpu.memory_space<vmem>>, vector<1x16xf32>,
      %get3A_41 = vector.shape_cast %get3A_40 : vector<1x16xf32> to vector<16xf32>
      %gt3A_42 = arith.cmpf ogt, %get3A_41, %select_n3A_33 : vector<16xf32>
      %gt3A_43 = arith.cmpf ogt, %get3A_41, %select_n3A_30 : vector<16xf32>
      %select_n3A_44 = arith.select %gt3A_43, %get3A_41, %select_n3A_30 : vector<16xi1>, vector<16xf32>
      %select_n3A_45 = arith.select %gt3A_42, %select_n3A_33, %select_n3A_44 : vector<16xi1>, vector<16xf32>
      %select_n3A_46 = arith.select %gt3A_43, %broadcast_in_dim3A_36, %select_n3A_32 : vector<16xi1>, vector<16xi32>
      %select_n3A_47 = arith.select %gt3A_42, %select_n3A_34, %select_n3A_46 : vector<16xi1>, vector<16xi32>
      %select_n3A_48 = arith.select %gt3A_42, %get3A_41, %select_n3A_33 : vector<16xi1>, vector<16xf32>
      %select_n3A_49 = arith.select %gt3A_42, %broadcast_in_dim3A_36, %select_n3A_34 : vector<16xi1>, vector<16xi32>
      %broadcast_in_dim3A_50 = arith.constant 3 : i32
      %broadcast_in_dim3A_51 = vector.broadcast %broadcast_in_dim3A_50 : i32 to vector<16xi32>
      %get3A_52 = arith.constant 3 : i32
      %get3A_53 = arith.index_cast %get3A_52 : i32 to index
      %get3A_54 = arith.index_cast %mul3A_4 : i32 to index
      %get3A_55 = tpu.vector_load %arg5[%get3A_53, %get3A_54] {strides = array<i32>} : memref<64x256xf32, #tpu.memory_space<vmem>>, vector<1x16xf32>,
      %get3A_56 = vector.shape_cast %get3A_55 : vector<1x16xf32> to vector<16xf32>
      %gt3A_57 = arith.cmpf ogt, %get3A_56, %select_n3A_48 : vector<16xf32>
      %gt3A_58 = arith.cmpf ogt, %get3A_56, %select_n3A_45 : vector<16xf32>
      %select_n3A_59 = arith.select %gt3A_58, %get3A_56, %select_n3A_45 : vector<16xi1>, vector<16xf32>
      %select_n3A_60 = arith.select %gt3A_57, %select_n3A_48, %select_n3A_59 : vector<16xi1>, vector<16xf32>
      %select_n3A_61 = arith.select %gt3A_58, %broadcast_in_dim3A_51, %select_n3A_47 : vector<16xi1>, vector<16xi32>
      %select_n3A_62 = arith.select %gt3A_57, %select_n3A_49, %select_n3A_61 : vector<16xi1>, vector<16xi32>
      %select_n3A_63 = arith.select %gt3A_57, %get3A_56, %select_n3A_48 : vector<16xi1>, vector<16xf32>
      %select_n3A_64 = arith.select %gt3A_57, %broadcast_in_dim3A_51, %select_n3A_49 : vector<16xi1>, vector<16xi32>
      %broadcast_in_dim3A_65 = arith.constant 4 : i32
      %broadcast_in_dim3A_66 = vector.broadcast %broadcast_in_dim3A_65 : i32 to vector<16xi32>
      %get3A_67 = arith.constant 4 : i32
      %get3A_68 = arith.index_cast %get3A_67 : i32 to index
      %get3A_69 = arith.index_cast %mul3A_4 : i32 to index
      %get3A_70 = tpu.vector_load %arg5[%get3A_68, %get3A_69] {strides = array<i32>} : memref<64x256xf32, #tpu.memory_space<vmem>>, vector<1x16xf32>,
      %get3A_71 = vector.shape_cast %get3A_70 : vector<1x16xf32> to vector<16xf32>
      %gt3A_72 = arith.cmpf ogt, %get3A_71, %select_n3A_63 : vector<16xf32>
      %gt3A_73 = arith.cmpf ogt, %get3A_71, %select_n3A_60 : vector<16xf32>
      %select_n3A_74 = arith.select %gt3A_73, %get3A_71, %select_n3A_60 : vector<16xi1>, vector<16xf32>
      %select_n3A_75 = arith.select %gt3A_72, %select_n3A_63, %select_n3A_74 : vector<16xi1>, vector<16xf32>
      %select_n3A_76 = arith.select %gt3A_73, %broadcast_in_dim3A_66, %select_n3A_62 : vector<16xi1>, vector<16xi32>
      %select_n3A_77 = arith.select %gt3A_72, %select_n3A_64, %select_n3A_76 : vector<16xi1>, vector<16xi32>
      %select_n3A_78 = arith.select %gt3A_72, %get3A_71, %select_n3A_63 : vector<16xi1>, vector<16xf32>
      %select_n3A_79 = arith.select %gt3A_72, %broadcast_in_dim3A_66, %select_n3A_64 : vector<16xi1>, vector<16xi32>
      %broadcast_in_dim3A_80 = arith.constant 5 : i32
      %broadcast_in_dim3A_81 = vector.broadcast %broadcast_in_dim3A_80 : i32 to vector<16xi32>
      %get3A_82 = arith.constant 5 : i32
      %get3A_83 = arith.index_cast %get3A_82 : i32 to index
      %get3A_84 = arith.index_cast %mul3A_4 : i32 to index
      %get3A_85 = tpu.vector_load %arg5[%get3A_83, %get3A_84] {strides = array<i32>} : memref<64x256xf32, #tpu.memory_space<vmem>>, vector<1x16xf32>,
      %get3A_86 = vector.shape_cast %get3A_85 : vector<1x16xf32> to vector<16xf32>
      %gt3A_87 = arith.cmpf ogt, %get3A_86, %select_n3A_78 : vector<16xf32>
      %gt3A_88 = arith.cmpf ogt, %get3A_86, %select_n3A_75 : vector<16xf32>
      %select_n3A_89 = arith.select %gt3A_88, %get3A_86, %select_n3A_75 : vector<16xi1>, vector<16xf32>
      %select_n3A_90 = arith.select %gt3A_87, %select_n3A_78, %select_n3A_89 : vector<16xi1>, vector<16xf32>
      %select_n3A_91 = arith.select %gt3A_88, %broadcast_in_dim3A_81, %select_n3A_77 : vector<16xi1>, vector<16xi32>
      %select_n3A_92 = arith.select %gt3A_87, %select_n3A_79, %select_n3A_91 : vector<16xi1>, vector<16xi32>
      %select_n3A_93 = arith.select %gt3A_87, %get3A_86, %select_n3A_78 : vector<16xi1>, vector<16xf32>
      %select_n3A_94 = arith.select %gt3A_87, %broadcast_in_dim3A_81, %select_n3A_79 : vector<16xi1>, vector<16xi32>
      %broadcast_in_dim3A_95 = arith.constant 6 : i32
      %broadcast_in_dim3A_96 = vector.broadcast %broadcast_in_dim3A_95 : i32 to vector<16xi32>
      %get3A_97 = arith.constant 6 : i32
      %get3A_98 = arith.index_cast %get3A_97 : i32 to index
      %get3A_99 = arith.index_cast %mul3A_4 : i32 to index
      %get3A_100 = tpu.vector_load %arg5[%get3A_98, %get3A_99] {strides = array<i32>} : memref<64x256xf32, #tpu.memory_space<vmem>>, vector<1x16xf32>,
      %get3A_101 = vector.shape_cast %get3A_100 : vector<1x16xf32> to vector<16xf32>
      %gt3A_102 = arith.cmpf ogt, %get3A_101, %select_n3A_93 : vector<16xf32>
      %gt3A_103 = arith.cmpf ogt, %get3A_101, %select_n3A_90 : vector<16xf32>
      %select_n3A_104 = arith.select %gt3A_103, %get3A_101, %select_n3A_90 : vector<16xi1>, vector<16xf32>
      %select_n3A_105 = arith.select %gt3A_102, %select_n3A_93, %select_n3A_104 : vector<16xi1>, vector<16xf32>
      %select_n3A_106 = arith.select %gt3A_103, %broadcast_in_dim3A_96, %select_n3A_92 : vector<16xi1>, vector<16xi32>
      %select_n3A_107 = arith.select %gt3A_102, %select_n3A_94, %select_n3A_106 : vector<16xi1>, vector<16xi32>
      %select_n3A_108 = arith.select %gt3A_102, %get3A_101, %select_n3A_93 : vector<16xi1>, vector<16xf32>
      %select_n3A_109 = arith.select %gt3A_102, %broadcast_in_dim3A_96, %select_n3A_94 : vector<16xi1>, vector<16xi32>
      %broadcast_in_dim3A_110 = arith.constant 7 : i32
      %broadcast_in_dim3A_111 = vector.broadcast %broadcast_in_dim3A_110 : i32 to vector<16xi32>
      %get3A_112 = arith.constant 7 : i32
      %get3A_113 = arith.index_cast %get3A_112 : i32 to index
      %get3A_114 = arith.index_cast %mul3A_4 : i32 to index
      %get3A_115 = tpu.vector_load %arg5[%get3A_113, %get3A_114] {strides = array<i32>} : memref<64x256xf32, #tpu.memory_space<vmem>>, vector<1x16xf32>,
      %get3A_116 = vector.shape_cast %get3A_115 : vector<1x16xf32> to vector<16xf32>
      %gt3A_117 = arith.cmpf ogt, %get3A_116, %select_n3A_108 : vector<16xf32>
      %gt3A_118 = arith.cmpf ogt, %get3A_116, %select_n3A_105 : vector<16xf32>
      %select_n3A_119 = arith.select %gt3A_118, %get3A_116, %select_n3A_105 : vector<16xi1>, vector<16xf32>
      %select_n3A_120 = arith.select %gt3A_117, %select_n3A_108, %select_n3A_119 : vector<16xi1>, vector<16xf32>
      %select_n3A_121 = arith.select %gt3A_118, %broadcast_in_dim3A_111, %select_n3A_107 : vector<16xi1>, vector<16xi32>
      %select_n3A_122 = arith.select %gt3A_117, %select_n3A_109, %select_n3A_121 : vector<16xi1>, vector<16xi32>
      %select_n3A_123 = arith.select %gt3A_117, %get3A_116, %select_n3A_108 : vector<16xi1>, vector<16xf32>
      %select_n3A_124 = arith.select %gt3A_117, %broadcast_in_dim3A_111, %select_n3A_109 : vector<16xi1>, vector<16xi32>
      %broadcast_in_dim3A_125 = arith.constant 8 : i32
      %broadcast_in_dim3A_126 = vector.broadcast %broadcast_in_dim3A_125 : i32 to vector<16xi32>
      %get3A_127 = arith.constant 8 : i32
      %get3A_128 = arith.index_cast %get3A_127 : i32 to index
      %get3A_129 = arith.index_cast %mul3A_4 : i32 to index
      %get3A_130 = tpu.vector_load %arg5[%get3A_128, %get3A_129] {strides = array<i32>} : memref<64x256xf32, #tpu.memory_space<vmem>>, vector<1x16xf32>,
      %get3A_131 = vector.shape_cast %get3A_130 : vector<1x16xf32> to vector<16xf32>
      %gt3A_132 = arith.cmpf ogt, %get3A_131, %select_n3A_123 : vector<16xf32>
      %gt3A_133 = arith.cmpf ogt, %get3A_131, %select_n3A_120 : vector<16xf32>
      %select_n3A_134 = arith.select %gt3A_133, %get3A_131, %select_n3A_120 : vector<16xi1>, vector<16xf32>
      %select_n3A_135 = arith.select %gt3A_132, %select_n3A_123, %select_n3A_134 : vector<16xi1>, vector<16xf32>
      %select_n3A_136 = arith.select %gt3A_133, %broadcast_in_dim3A_126, %select_n3A_122 : vector<16xi1>, vector<16xi32>
      %select_n3A_137 = arith.select %gt3A_132, %select_n3A_124, %select_n3A_136 : vector<16xi1>, vector<16xi32>
      %select_n3A_138 = arith.select %gt3A_132, %get3A_131, %select_n3A_123 : vector<16xi1>, vector<16xf32>
      %select_n3A_139 = arith.select %gt3A_132, %broadcast_in_dim3A_126, %select_n3A_124 : vector<16xi1>, vector<16xi32>
      %broadcast_in_dim3A_140 = arith.constant 9 : i32
      %broadcast_in_dim3A_141 = vector.broadcast %broadcast_in_dim3A_140 : i32 to vector<16xi32>
      %get3A_142 = arith.constant 9 : i32
      %get3A_143 = arith.index_cast %get3A_142 : i32 to index
      %get3A_144 = arith.index_cast %mul3A_4 : i32 to index
      %get3A_145 = tpu.vector_load %arg5[%get3A_143, %get3A_144] {strides = array<i32>} : memref<64x256xf32, #tpu.memory_space<vmem>>, vector<1x16xf32>,
      %get3A_146 = vector.shape_cast %get3A_145 : vector<1x16xf32> to vector<16xf32>
      %gt3A_147 = arith.cmpf ogt, %get3A_146, %select_n3A_138 : vector<16xf32>
      %gt3A_148 = arith.cmpf ogt, %get3A_146, %select_n3A_135 : vector<16xf32>
      %select_n3A_149 = arith.select %gt3A_148, %get3A_146, %select_n3A_135 : vector<16xi1>, vector<16xf32>
      %select_n3A_150 = arith.select %gt3A_147, %select_n3A_138, %select_n3A_149 : vector<16xi1>, vector<16xf32>
      %select_n3A_151 = arith.select %gt3A_148, %broadcast_in_dim3A_141, %select_n3A_137 : vector<16xi1>, vector<16xi32>
      %select_n3A_152 = arith.select %gt3A_147, %select_n3A_139, %select_n3A_151 : vector<16xi1>, vector<16xi32>
      %select_n3A_153 = arith.select %gt3A_147, %get3A_146, %select_n3A_138 : vector<16xi1>, vector<16xf32>
      %select_n3A_154 = arith.select %gt3A_147, %broadcast_in_dim3A_141, %select_n3A_139 : vector<16xi1>, vector<16xi32>
      %broadcast_in_dim3A_155 = arith.constant 10 : i32
      %broadcast_in_dim3A_156 = vector.broadcast %broadcast_in_dim3A_155 : i32 to vector<16xi32>
      %get3A_157 = arith.constant 10 : i32
      %get3A_158 = arith.index_cast %get3A_157 : i32 to index
      %get3A_159 = arith.index_cast %mul3A_4 : i32 to index
      %get3A_160 = tpu.vector_load %arg5[%get3A_158, %get3A_159] {strides = array<i32>} : memref<64x256xf32, #tpu.memory_space<vmem>>, vector<1x16xf32>,
      %get3A_161 = vector.shape_cast %get3A_160 : vector<1x16xf32> to vector<16xf32>
      %gt3A_162 = arith.cmpf ogt, %get3A_161, %select_n3A_153 : vector<16xf32>
      %gt3A_163 = arith.cmpf ogt, %get3A_161, %select_n3A_150 : vector<16xf32>
      %select_n3A_164 = arith.select %gt3A_163, %get3A_161, %select_n3A_150 : vector<16xi1>, vector<16xf32>
      %select_n3A_165 = arith.select %gt3A_162, %select_n3A_153, %select_n3A_164 : vector<16xi1>, vector<16xf32>
      %select_n3A_166 = arith.select %gt3A_163, %broadcast_in_dim3A_156, %select_n3A_152 : vector<16xi1>, vector<16xi32>
      %select_n3A_167 = arith.select %gt3A_162, %select_n3A_154, %select_n3A_166 : vector<16xi1>, vector<16xi32>
      %select_n3A_168 = arith.select %gt3A_162, %get3A_161, %select_n3A_153 : vector<16xi1>, vector<16xf32>
      %select_n3A_169 = arith.select %gt3A_162, %broadcast_in_dim3A_156, %select_n3A_154 : vector<16xi1>, vector<16xi32>
      %broadcast_in_dim3A_170 = arith.constant 11 : i32
      %broadcast_in_dim3A_171 = vector.broadcast %broadcast_in_dim3A_170 : i32 to vector<16xi32>
      %get3A_172 = arith.constant 11 : i32
      %get3A_173 = arith.index_cast %get3A_172 : i32 to index
      %get3A_174 = arith.index_cast %mul3A_4 : i32 to index
      %get3A_175 = tpu.vector_load %arg5[%get3A_173, %get3A_174] {strides = array<i32>} : memref<64x256xf32, #tpu.memory_space<vmem>>, vector<1x16xf32>,
      %get3A_176 = vector.shape_cast %get3A_175 : vector<1x16xf32> to vector<16xf32>
      %gt3A_177 = arith.cmpf ogt, %get3A_176, %select_n3A_168 : vector<16xf32>
      %gt3A_178 = arith.cmpf ogt, %get3A_176, %select_n3A_165 : vector<16xf32>
      %select_n3A_179 = arith.select %gt3A_178, %get3A_176, %select_n3A_165 : vector<16xi1>, vector<16xf32>
      %select_n3A_180 = arith.select %gt3A_177, %select_n3A_168, %select_n3A_179 : vector<16xi1>, vector<16xf32>
      %select_n3A_181 = arith.select %gt3A_178, %broadcast_in_dim3A_171, %select_n3A_167 : vector<16xi1>, vector<16xi32>
      %select_n3A_182 = arith.select %gt3A_177, %select_n3A_169, %select_n3A_181 : vector<16xi1>, vector<16xi32>
      %select_n3A_183 = arith.select %gt3A_177, %get3A_176, %select_n3A_168 : vector<16xi1>, vector<16xf32>
      %select_n3A_184 = arith.select %gt3A_177, %broadcast_in_dim3A_171, %select_n3A_169 : vector<16xi1>, vector<16xi32>
      %broadcast_in_dim3A_185 = arith.constant 12 : i32
      %broadcast_in_dim3A_186 = vector.broadcast %broadcast_in_dim3A_185 : i32 to vector<16xi32>
      %get3A_187 = arith.constant 12 : i32
      %get3A_188 = arith.index_cast %get3A_187 : i32 to index
      %get3A_189 = arith.index_cast %mul3A_4 : i32 to index
      %get3A_190 = tpu.vector_load %arg5[%get3A_188, %get3A_189] {strides = array<i32>} : memref<64x256xf32, #tpu.memory_space<vmem>>, vector<1x16xf32>,
      %get3A_191 = vector.shape_cast %get3A_190 : vector<1x16xf32> to vector<16xf32>
      %gt3A_192 = arith.cmpf ogt, %get3A_191, %select_n3A_183 : vector<16xf32>
      %gt3A_193 = arith.cmpf ogt, %get3A_191, %select_n3A_180 : vector<16xf32>
      %select_n3A_194 = arith.select %gt3A_193, %get3A_191, %select_n3A_180 : vector<16xi1>, vector<16xf32>
      %select_n3A_195 = arith.select %gt3A_192, %select_n3A_183, %select_n3A_194 : vector<16xi1>, vector<16xf32>
      %select_n3A_196 = arith.select %gt3A_193, %broadcast_in_dim3A_186, %select_n3A_182 : vector<16xi1>, vector<16xi32>
      %select_n3A_197 = arith.select %gt3A_192, %select_n3A_184, %select_n3A_196 : vector<16xi1>, vector<16xi32>
      %select_n3A_198 = arith.select %gt3A_192, %get3A_191, %select_n3A_183 : vector<16xi1>, vector<16xf32>
      %select_n3A_199 = arith.select %gt3A_192, %broadcast_in_dim3A_186, %select_n3A_184 : vector<16xi1>, vector<16xi32>
      %broadcast_in_dim3A_200 = arith.constant 13 : i32
      %broadcast_in_dim3A_201 = vector.broadcast %broadcast_in_dim3A_200 : i32 to vector<16xi32>
      %get3A_202 = arith.constant 13 : i32
      %get3A_203 = arith.index_cast %get3A_202 : i32 to index
      %get3A_204 = arith.index_cast %mul3A_4 : i32 to index
      %get3A_205 = tpu.vector_load %arg5[%get3A_203, %get3A_204] {strides = array<i32>} : memref<64x256xf32, #tpu.memory_space<vmem>>, vector<1x16xf32>,
      %get3A_206 = vector.shape_cast %get3A_205 : vector<1x16xf32> to vector<16xf32>
      %gt3A_207 = arith.cmpf ogt, %get3A_206, %select_n3A_198 : vector<16xf32>
      %gt3A_208 = arith.cmpf ogt, %get3A_206, %select_n3A_195 : vector<16xf32>
      %select_n3A_209 = arith.select %gt3A_208, %get3A_206, %select_n3A_195 : vector<16xi1>, vector<16xf32>
      %select_n3A_210 = arith.select %gt3A_207, %select_n3A_198, %select_n3A_209 : vector<16xi1>, vector<16xf32>
      %select_n3A_211 = arith.select %gt3A_208, %broadcast_in_dim3A_201, %select_n3A_197 : vector<16xi1>, vector<16xi32>
      %select_n3A_212 = arith.select %gt3A_207, %select_n3A_199, %select_n3A_211 : vector<16xi1>, vector<16xi32>
      %select_n3A_213 = arith.select %gt3A_207, %get3A_206, %select_n3A_198 : vector<16xi1>, vector<16xf32>
      %select_n3A_214 = arith.select %gt3A_207, %broadcast_in_dim3A_201, %select_n3A_199 : vector<16xi1>, vector<16xi32>
      %broadcast_in_dim3A_215 = arith.constant 14 : i32
      %broadcast_in_dim3A_216 = vector.broadcast %broadcast_in_dim3A_215 : i32 to vector<16xi32>
      %get3A_217 = arith.constant 14 : i32
      %get3A_218 = arith.index_cast %get3A_217 : i32 to index
      %get3A_219 = arith.index_cast %mul3A_4 : i32 to index
      %get3A_220 = tpu.vector_load %arg5[%get3A_218, %get3A_219] {strides = array<i32>} : memref<64x256xf32, #tpu.memory_space<vmem>>, vector<1x16xf32>,
      %get3A_221 = vector.shape_cast %get3A_220 : vector<1x16xf32> to vector<16xf32>
      %gt3A_222 = arith.cmpf ogt, %get3A_221, %select_n3A_213 : vector<16xf32>
      %gt3A_223 = arith.cmpf ogt, %get3A_221, %select_n3A_210 : vector<16xf32>
      %select_n3A_224 = arith.select %gt3A_223, %get3A_221, %select_n3A_210 : vector<16xi1>, vector<16xf32>
      %select_n3A_225 = arith.select %gt3A_222, %select_n3A_213, %select_n3A_224 : vector<16xi1>, vector<16xf32>
      %select_n3A_226 = arith.select %gt3A_223, %broadcast_in_dim3A_216, %select_n3A_212 : vector<16xi1>, vector<16xi32>
      %select_n3A_227 = arith.select %gt3A_222, %select_n3A_214, %select_n3A_226 : vector<16xi1>, vector<16xi32>
      %select_n3A_228 = arith.select %gt3A_222, %get3A_221, %select_n3A_213 : vector<16xi1>, vector<16xf32>
      %select_n3A_229 = arith.select %gt3A_222, %broadcast_in_dim3A_216, %select_n3A_214 : vector<16xi1>, vector<16xi32>
      %broadcast_in_dim3A_230 = arith.constant 15 : i32
      %broadcast_in_dim3A_231 = vector.broadcast %broadcast_in_dim3A_230 : i32 to vector<16xi32>
      %get3A_232 = arith.constant 15 : i32
      %get3A_233 = arith.index_cast %get3A_232 : i32 to index
      %get3A_234 = arith.index_cast %mul3A_4 : i32 to index
      %get3A_235 = tpu.vector_load %arg5[%get3A_233, %get3A_234] {strides = array<i32>} : memref<64x256xf32, #tpu.memory_space<vmem>>, vector<1x16xf32>,
      %get3A_236 = vector.shape_cast %get3A_235 : vector<1x16xf32> to vector<16xf32>
      %gt3A_237 = arith.cmpf ogt, %get3A_236, %select_n3A_228 : vector<16xf32>
      %gt3A_238 = arith.cmpf ogt, %get3A_236, %select_n3A_225 : vector<16xf32>
      %select_n3A_239 = arith.select %gt3A_238, %get3A_236, %select_n3A_225 : vector<16xi1>, vector<16xf32>
      %select_n3A_240 = arith.select %gt3A_237, %select_n3A_228, %select_n3A_239 : vector<16xi1>, vector<16xf32>
      %select_n3A_241 = arith.select %gt3A_238, %broadcast_in_dim3A_231, %select_n3A_227 : vector<16xi1>, vector<16xi32>
      %select_n3A_242 = arith.select %gt3A_237, %select_n3A_229, %select_n3A_241 : vector<16xi1>, vector<16xi32>
      %select_n3A_243 = arith.select %gt3A_237, %get3A_236, %select_n3A_228 : vector<16xi1>, vector<16xf32>
      %select_n3A_244 = arith.select %gt3A_237, %broadcast_in_dim3A_231, %select_n3A_229 : vector<16xi1>, vector<16xi32>
      %broadcast_in_dim3A_245 = arith.constant 16 : i32
      %broadcast_in_dim3A_246 = vector.broadcast %broadcast_in_dim3A_245 : i32 to vector<16xi32>
      %get3A_247 = arith.constant 16 : i32
      %get3A_248 = arith.index_cast %get3A_247 : i32 to index
      %get3A_249 = arith.index_cast %mul3A_4 : i32 to index
      %get3A_250 = tpu.vector_load %arg5[%get3A_248, %get3A_249] {strides = array<i32>} : memref<64x256xf32, #tpu.memory_space<vmem>>, vector<1x16xf32>,
      %get3A_251 = vector.shape_cast %get3A_250 : vector<1x16xf32> to vector<16xf32>
      %gt3A_252 = arith.cmpf ogt, %get3A_251, %select_n3A_243 : vector<16xf32>
      %gt3A_253 = arith.cmpf ogt, %get3A_251, %select_n3A_240 : vector<16xf32>
      %select_n3A_254 = arith.select %gt3A_253, %get3A_251, %select_n3A_240 : vector<16xi1>, vector<16xf32>
      %select_n3A_255 = arith.select %gt3A_252, %select_n3A_243, %select_n3A_254 : vector<16xi1>, vector<16xf32>
      %select_n3A_256 = arith.select %gt3A_253, %broadcast_in_dim3A_246, %select_n3A_242 : vector<16xi1>, vector<16xi32>
      %select_n3A_257 = arith.select %gt3A_252, %select_n3A_244, %select_n3A_256 : vector<16xi1>, vector<16xi32>
      %select_n3A_258 = arith.select %gt3A_252, %get3A_251, %select_n3A_243 : vector<16xi1>, vector<16xf32>
      %select_n3A_259 = arith.select %gt3A_252, %broadcast_in_dim3A_246, %select_n3A_244 : vector<16xi1>, vector<16xi32>
      %broadcast_in_dim3A_260 = arith.constant 17 : i32
      %broadcast_in_dim3A_261 = vector.broadcast %broadcast_in_dim3A_260 : i32 to vector<16xi32>
      %get3A_262 = arith.constant 17 : i32
      %get3A_263 = arith.index_cast %get3A_262 : i32 to index
      %get3A_264 = arith.index_cast %mul3A_4 : i32 to index
      %get3A_265 = tpu.vector_load %arg5[%get3A_263, %get3A_264] {strides = array<i32>} : memref<64x256xf32, #tpu.memory_space<vmem>>, vector<1x16xf32>,
      %get3A_266 = vector.shape_cast %get3A_265 : vector<1x16xf32> to vector<16xf32>
      %gt3A_267 = arith.cmpf ogt, %get3A_266, %select_n3A_258 : vector<16xf32>
      %gt3A_268 = arith.cmpf ogt, %get3A_266, %select_n3A_255 : vector<16xf32>
      %select_n3A_269 = arith.select %gt3A_268, %get3A_266, %select_n3A_255 : vector<16xi1>, vector<16xf32>
      %select_n3A_270 = arith.select %gt3A_267, %select_n3A_258, %select_n3A_269 : vector<16xi1>, vector<16xf32>
      %select_n3A_271 = arith.select %gt3A_268, %broadcast_in_dim3A_261, %select_n3A_257 : vector<16xi1>, vector<16xi32>
      %select_n3A_272 = arith.select %gt3A_267, %select_n3A_259, %select_n3A_271 : vector<16xi1>, vector<16xi32>
      %select_n3A_273 = arith.select %gt3A_267, %get3A_266, %select_n3A_258 : vector<16xi1>, vector<16xf32>
      %select_n3A_274 = arith.select %gt3A_267, %broadcast_in_dim3A_261, %select_n3A_259 : vector<16xi1>, vector<16xi32>
      %broadcast_in_dim3A_275 = arith.constant 18 : i32
      %broadcast_in_dim3A_276 = vector.broadcast %broadcast_in_dim3A_275 : i32 to vector<16xi32>
      %get3A_277 = arith.constant 18 : i32
      %get3A_278 = arith.index_cast %get3A_277 : i32 to index
      %get3A_279 = arith.index_cast %mul3A_4 : i32 to index
      %get3A_280 = tpu.vector_load %arg5[%get3A_278, %get3A_279] {strides = array<i32>} : memref<64x256xf32, #tpu.memory_space<vmem>>, vector<1x16xf32>,
      %get3A_281 = vector.shape_cast %get3A_280 : vector<1x16xf32> to vector<16xf32>
      %gt3A_282 = arith.cmpf ogt, %get3A_281, %select_n3A_273 : vector<16xf32>
      %gt3A_283 = arith.cmpf ogt, %get3A_281, %select_n3A_270 : vector<16xf32>
      %select_n3A_284 = arith.select %gt3A_283, %get3A_281, %select_n3A_270 : vector<16xi1>, vector<16xf32>
      %select_n3A_285 = arith.select %gt3A_282, %select_n3A_273, %select_n3A_284 : vector<16xi1>, vector<16xf32>
      %select_n3A_286 = arith.select %gt3A_283, %broadcast_in_dim3A_276, %select_n3A_272 : vector<16xi1>, vector<16xi32>
      %select_n3A_287 = arith.select %gt3A_282, %select_n3A_274, %select_n3A_286 : vector<16xi1>, vector<16xi32>
      %select_n3A_288 = arith.select %gt3A_282, %get3A_281, %select_n3A_273 : vector<16xi1>, vector<16xf32>
      %select_n3A_289 = arith.select %gt3A_282, %broadcast_in_dim3A_276, %select_n3A_274 : vector<16xi1>, vector<16xi32>
      %broadcast_in_dim3A_290 = arith.constant 19 : i32
      %broadcast_in_dim3A_291 = vector.broadcast %broadcast_in_dim3A_290 : i32 to vector<16xi32>
      %get3A_292 = arith.constant 19 : i32
      %get3A_293 = arith.index_cast %get3A_292 : i32 to index
      %get3A_294 = arith.index_cast %mul3A_4 : i32 to index
      %get3A_295 = tpu.vector_load %arg5[%get3A_293, %get3A_294] {strides = array<i32>} : memref<64x256xf32, #tpu.memory_space<vmem>>, vector<1x16xf32>,
      %get3A_296 = vector.shape_cast %get3A_295 : vector<1x16xf32> to vector<16xf32>
      %gt3A_297 = arith.cmpf ogt, %get3A_296, %select_n3A_288 : vector<16xf32>
      %gt3A_298 = arith.cmpf ogt, %get3A_296, %select_n3A_285 : vector<16xf32>
      %select_n3A_299 = arith.select %gt3A_298, %get3A_296, %select_n3A_285 : vector<16xi1>, vector<16xf32>
      %select_n3A_300 = arith.select %gt3A_297, %select_n3A_288, %select_n3A_299 : vector<16xi1>, vector<16xf32>
      %select_n3A_301 = arith.select %gt3A_298, %broadcast_in_dim3A_291, %select_n3A_287 : vector<16xi1>, vector<16xi32>
      %select_n3A_302 = arith.select %gt3A_297, %select_n3A_289, %select_n3A_301 : vector<16xi1>, vector<16xi32>
      %select_n3A_303 = arith.select %gt3A_297, %get3A_296, %select_n3A_288 : vector<16xi1>, vector<16xf32>
      %select_n3A_304 = arith.select %gt3A_297, %broadcast_in_dim3A_291, %select_n3A_289 : vector<16xi1>, vector<16xi32>
      %broadcast_in_dim3A_305 = arith.constant 20 : i32
      %broadcast_in_dim3A_306 = vector.broadcast %broadcast_in_dim3A_305 : i32 to vector<16xi32>
      %get3A_307 = arith.constant 20 : i32
      %get3A_308 = arith.index_cast %get3A_307 : i32 to index
      %get3A_309 = arith.index_cast %mul3A_4 : i32 to index
      %get3A_310 = tpu.vector_load %arg5[%get3A_308, %get3A_309] {strides = array<i32>} : memref<64x256xf32, #tpu.memory_space<vmem>>, vector<1x16xf32>,
      %get3A_311 = vector.shape_cast %get3A_310 : vector<1x16xf32> to vector<16xf32>
      %gt3A_312 = arith.cmpf ogt, %get3A_311, %select_n3A_303 : vector<16xf32>
      %gt3A_313 = arith.cmpf ogt, %get3A_311, %select_n3A_300 : vector<16xf32>
      %select_n3A_314 = arith.select %gt3A_313, %get3A_311, %select_n3A_300 : vector<16xi1>, vector<16xf32>
      %select_n3A_315 = arith.select %gt3A_312, %select_n3A_303, %select_n3A_314 : vector<16xi1>, vector<16xf32>
      %select_n3A_316 = arith.select %gt3A_313, %broadcast_in_dim3A_306, %select_n3A_302 : vector<16xi1>, vector<16xi32>
      %select_n3A_317 = arith.select %gt3A_312, %select_n3A_304, %select_n3A_316 : vector<16xi1>, vector<16xi32>
      %select_n3A_318 = arith.select %gt3A_312, %get3A_311, %select_n3A_303 : vector<16xi1>, vector<16xf32>
      %select_n3A_319 = arith.select %gt3A_312, %broadcast_in_dim3A_306, %select_n3A_304 : vector<16xi1>, vector<16xi32>
      %broadcast_in_dim3A_320 = arith.constant 21 : i32
      %broadcast_in_dim3A_321 = vector.broadcast %broadcast_in_dim3A_320 : i32 to vector<16xi32>
      %get3A_322 = arith.constant 21 : i32
      %get3A_323 = arith.index_cast %get3A_322 : i32 to index
      %get3A_324 = arith.index_cast %mul3A_4 : i32 to index
      %get3A_325 = tpu.vector_load %arg5[%get3A_323, %get3A_324] {strides = array<i32>} : memref<64x256xf32, #tpu.memory_space<vmem>>, vector<1x16xf32>,
      %get3A_326 = vector.shape_cast %get3A_325 : vector<1x16xf32> to vector<16xf32>
      %gt3A_327 = arith.cmpf ogt, %get3A_326, %select_n3A_318 : vector<16xf32>
      %gt3A_328 = arith.cmpf ogt, %get3A_326, %select_n3A_315 : vector<16xf32>
      %select_n3A_329 = arith.select %gt3A_328, %get3A_326, %select_n3A_315 : vector<16xi1>, vector<16xf32>
      %select_n3A_330 = arith.select %gt3A_327, %select_n3A_318, %select_n3A_329 : vector<16xi1>, vector<16xf32>
      %select_n3A_331 = arith.select %gt3A_328, %broadcast_in_dim3A_321, %select_n3A_317 : vector<16xi1>, vector<16xi32>
      %select_n3A_332 = arith.select %gt3A_327, %select_n3A_319, %select_n3A_331 : vector<16xi1>, vector<16xi32>
      %select_n3A_333 = arith.select %gt3A_327, %get3A_326, %select_n3A_318 : vector<16xi1>, vector<16xf32>
      %select_n3A_334 = arith.select %gt3A_327, %broadcast_in_dim3A_321, %select_n3A_319 : vector<16xi1>, vector<16xi32>
      %broadcast_in_dim3A_335 = arith.constant 22 : i32
      %broadcast_in_dim3A_336 = vector.broadcast %broadcast_in_dim3A_335 : i32 to vector<16xi32>
      %get3A_337 = arith.constant 22 : i32
      %get3A_338 = arith.index_cast %get3A_337 : i32 to index
      %get3A_339 = arith.index_cast %mul3A_4 : i32 to index
      %get3A_340 = tpu.vector_load %arg5[%get3A_338, %get3A_339] {strides = array<i32>} : memref<64x256xf32, #tpu.memory_space<vmem>>, vector<1x16xf32>,
      %get3A_341 = vector.shape_cast %get3A_340 : vector<1x16xf32> to vector<16xf32>
      %gt3A_342 = arith.cmpf ogt, %get3A_341, %select_n3A_333 : vector<16xf32>
      %gt3A_343 = arith.cmpf ogt, %get3A_341, %select_n3A_330 : vector<16xf32>
      %select_n3A_344 = arith.select %gt3A_343, %get3A_341, %select_n3A_330 : vector<16xi1>, vector<16xf32>
      %select_n3A_345 = arith.select %gt3A_342, %select_n3A_333, %select_n3A_344 : vector<16xi1>, vector<16xf32>
      %select_n3A_346 = arith.select %gt3A_343, %broadcast_in_dim3A_336, %select_n3A_332 : vector<16xi1>, vector<16xi32>
      %select_n3A_347 = arith.select %gt3A_342, %select_n3A_334, %select_n3A_346 : vector<16xi1>, vector<16xi32>
      %select_n3A_348 = arith.select %gt3A_342, %get3A_341, %select_n3A_333 : vector<16xi1>, vector<16xf32>
      %select_n3A_349 = arith.select %gt3A_342, %broadcast_in_dim3A_336, %select_n3A_334 : vector<16xi1>, vector<16xi32>
      %broadcast_in_dim3A_350 = arith.constant 23 : i32
      %broadcast_in_dim3A_351 = vector.broadcast %broadcast_in_dim3A_350 : i32 to vector<16xi32>
      %get3A_352 = arith.constant 23 : i32
      %get3A_353 = arith.index_cast %get3A_352 : i32 to index
      %get3A_354 = arith.index_cast %mul3A_4 : i32 to index
      %get3A_355 = tpu.vector_load %arg5[%get3A_353, %get3A_354] {strides = array<i32>} : memref<64x256xf32, #tpu.memory_space<vmem>>, vector<1x16xf32>,
      %get3A_356 = vector.shape_cast %get3A_355 : vector<1x16xf32> to vector<16xf32>
      %gt3A_357 = arith.cmpf ogt, %get3A_356, %select_n3A_348 : vector<16xf32>
      %gt3A_358 = arith.cmpf ogt, %get3A_356, %select_n3A_345 : vector<16xf32>
      %select_n3A_359 = arith.select %gt3A_358, %get3A_356, %select_n3A_345 : vector<16xi1>, vector<16xf32>
      %select_n3A_360 = arith.select %gt3A_357, %select_n3A_348, %select_n3A_359 : vector<16xi1>, vector<16xf32>
      %select_n3A_361 = arith.select %gt3A_358, %broadcast_in_dim3A_351, %select_n3A_347 : vector<16xi1>, vector<16xi32>
      %select_n3A_362 = arith.select %gt3A_357, %select_n3A_349, %select_n3A_361 : vector<16xi1>, vector<16xi32>
      %select_n3A_363 = arith.select %gt3A_357, %get3A_356, %select_n3A_348 : vector<16xi1>, vector<16xf32>
      %select_n3A_364 = arith.select %gt3A_357, %broadcast_in_dim3A_351, %select_n3A_349 : vector<16xi1>, vector<16xi32>
      %broadcast_in_dim3A_365 = arith.constant 24 : i32
      %broadcast_in_dim3A_366 = vector.broadcast %broadcast_in_dim3A_365 : i32 to vector<16xi32>
      %get3A_367 = arith.constant 24 : i32
      %get3A_368 = arith.index_cast %get3A_367 : i32 to index
      %get3A_369 = arith.index_cast %mul3A_4 : i32 to index
      %get3A_370 = tpu.vector_load %arg5[%get3A_368, %get3A_369] {strides = array<i32>} : memref<64x256xf32, #tpu.memory_space<vmem>>, vector<1x16xf32>,
      %get3A_371 = vector.shape_cast %get3A_370 : vector<1x16xf32> to vector<16xf32>
      %gt3A_372 = arith.cmpf ogt, %get3A_371, %select_n3A_363 : vector<16xf32>
      %gt3A_373 = arith.cmpf ogt, %get3A_371, %select_n3A_360 : vector<16xf32>
      %select_n3A_374 = arith.select %gt3A_373, %get3A_371, %select_n3A_360 : vector<16xi1>, vector<16xf32>
      %select_n3A_375 = arith.select %gt3A_372, %select_n3A_363, %select_n3A_374 : vector<16xi1>, vector<16xf32>
      %select_n3A_376 = arith.select %gt3A_373, %broadcast_in_dim3A_366, %select_n3A_362 : vector<16xi1>, vector<16xi32>
      %select_n3A_377 = arith.select %gt3A_372, %select_n3A_364, %select_n3A_376 : vector<16xi1>, vector<16xi32>
      %select_n3A_378 = arith.select %gt3A_372, %get3A_371, %select_n3A_363 : vector<16xi1>, vector<16xf32>
      %select_n3A_379 = arith.select %gt3A_372, %broadcast_in_dim3A_366, %select_n3A_364 : vector<16xi1>, vector<16xi32>
      %broadcast_in_dim3A_380 = arith.constant 25 : i32
      %broadcast_in_dim3A_381 = vector.broadcast %broadcast_in_dim3A_380 : i32 to vector<16xi32>
      %get3A_382 = arith.constant 25 : i32
      %get3A_383 = arith.index_cast %get3A_382 : i32 to index
      %get3A_384 = arith.index_cast %mul3A_4 : i32 to index
      %get3A_385 = tpu.vector_load %arg5[%get3A_383, %get3A_384] {strides = array<i32>} : memref<64x256xf32, #tpu.memory_space<vmem>>, vector<1x16xf32>,
      %get3A_386 = vector.shape_cast %get3A_385 : vector<1x16xf32> to vector<16xf32>
      %gt3A_387 = arith.cmpf ogt, %get3A_386, %select_n3A_378 : vector<16xf32>
      %gt3A_388 = arith.cmpf ogt, %get3A_386, %select_n3A_375 : vector<16xf32>
      %select_n3A_389 = arith.select %gt3A_388, %get3A_386, %select_n3A_375 : vector<16xi1>, vector<16xf32>
      %select_n3A_390 = arith.select %gt3A_387, %select_n3A_378, %select_n3A_389 : vector<16xi1>, vector<16xf32>
      %select_n3A_391 = arith.select %gt3A_388, %broadcast_in_dim3A_381, %select_n3A_377 : vector<16xi1>, vector<16xi32>
      %select_n3A_392 = arith.select %gt3A_387, %select_n3A_379, %select_n3A_391 : vector<16xi1>, vector<16xi32>
      %select_n3A_393 = arith.select %gt3A_387, %get3A_386, %select_n3A_378 : vector<16xi1>, vector<16xf32>
      %select_n3A_394 = arith.select %gt3A_387, %broadcast_in_dim3A_381, %select_n3A_379 : vector<16xi1>, vector<16xi32>
      %broadcast_in_dim3A_395 = arith.constant 26 : i32
      %broadcast_in_dim3A_396 = vector.broadcast %broadcast_in_dim3A_395 : i32 to vector<16xi32>
      %get3A_397 = arith.constant 26 : i32
      %get3A_398 = arith.index_cast %get3A_397 : i32 to index
      %get3A_399 = arith.index_cast %mul3A_4 : i32 to index
      %get3A_400 = tpu.vector_load %arg5[%get3A_398, %get3A_399] {strides = array<i32>} : memref<64x256xf32, #tpu.memory_space<vmem>>, vector<1x16xf32>,
      %get3A_401 = vector.shape_cast %get3A_400 : vector<1x16xf32> to vector<16xf32>
      %gt3A_402 = arith.cmpf ogt, %get3A_401, %select_n3A_393 : vector<16xf32>
      %gt3A_403 = arith.cmpf ogt, %get3A_401, %select_n3A_390 : vector<16xf32>
      %select_n3A_404 = arith.select %gt3A_403, %get3A_401, %select_n3A_390 : vector<16xi1>, vector<16xf32>
      %select_n3A_405 = arith.select %gt3A_402, %select_n3A_393, %select_n3A_404 : vector<16xi1>, vector<16xf32>
      %select_n3A_406 = arith.select %gt3A_403, %broadcast_in_dim3A_396, %select_n3A_392 : vector<16xi1>, vector<16xi32>
      %select_n3A_407 = arith.select %gt3A_402, %select_n3A_394, %select_n3A_406 : vector<16xi1>, vector<16xi32>
      %select_n3A_408 = arith.select %gt3A_402, %get3A_401, %select_n3A_393 : vector<16xi1>, vector<16xf32>
      %select_n3A_409 = arith.select %gt3A_402, %broadcast_in_dim3A_396, %select_n3A_394 : vector<16xi1>, vector<16xi32>
      %broadcast_in_dim3A_410 = arith.constant 27 : i32
      %broadcast_in_dim3A_411 = vector.broadcast %broadcast_in_dim3A_410 : i32 to vector<16xi32>
      %get3A_412 = arith.constant 27 : i32
      %get3A_413 = arith.index_cast %get3A_412 : i32 to index
      %get3A_414 = arith.index_cast %mul3A_4 : i32 to index
      %get3A_415 = tpu.vector_load %arg5[%get3A_413, %get3A_414] {strides = array<i32>} : memref<64x256xf32, #tpu.memory_space<vmem>>, vector<1x16xf32>,
      %get3A_416 = vector.shape_cast %get3A_415 : vector<1x16xf32> to vector<16xf32>
      %gt3A_417 = arith.cmpf ogt, %get3A_416, %select_n3A_408 : vector<16xf32>
      %gt3A_418 = arith.cmpf ogt, %get3A_416, %select_n3A_405 : vector<16xf32>
      %select_n3A_419 = arith.select %gt3A_418, %get3A_416, %select_n3A_405 : vector<16xi1>, vector<16xf32>
      %select_n3A_420 = arith.select %gt3A_417, %select_n3A_408, %select_n3A_419 : vector<16xi1>, vector<16xf32>
      %select_n3A_421 = arith.select %gt3A_418, %broadcast_in_dim3A_411, %select_n3A_407 : vector<16xi1>, vector<16xi32>
      %select_n3A_422 = arith.select %gt3A_417, %select_n3A_409, %select_n3A_421 : vector<16xi1>, vector<16xi32>
      %select_n3A_423 = arith.select %gt3A_417, %get3A_416, %select_n3A_408 : vector<16xi1>, vector<16xf32>
      %select_n3A_424 = arith.select %gt3A_417, %broadcast_in_dim3A_411, %select_n3A_409 : vector<16xi1>, vector<16xi32>
      %broadcast_in_dim3A_425 = arith.constant 28 : i32
      %broadcast_in_dim3A_426 = vector.broadcast %broadcast_in_dim3A_425 : i32 to vector<16xi32>
      %get3A_427 = arith.constant 28 : i32
      %get3A_428 = arith.index_cast %get3A_427 : i32 to index
      %get3A_429 = arith.index_cast %mul3A_4 : i32 to index
      %get3A_430 = tpu.vector_load %arg5[%get3A_428, %get3A_429] {strides = array<i32>} : memref<64x256xf32, #tpu.memory_space<vmem>>, vector<1x16xf32>,
      %get3A_431 = vector.shape_cast %get3A_430 : vector<1x16xf32> to vector<16xf32>
      %gt3A_432 = arith.cmpf ogt, %get3A_431, %select_n3A_423 : vector<16xf32>
      %gt3A_433 = arith.cmpf ogt, %get3A_431, %select_n3A_420 : vector<16xf32>
      %select_n3A_434 = arith.select %gt3A_433, %get3A_431, %select_n3A_420 : vector<16xi1>, vector<16xf32>
      %select_n3A_435 = arith.select %gt3A_432, %select_n3A_423, %select_n3A_434 : vector<16xi1>, vector<16xf32>
      %select_n3A_436 = arith.select %gt3A_433, %broadcast_in_dim3A_426, %select_n3A_422 : vector<16xi1>, vector<16xi32>
      %select_n3A_437 = arith.select %gt3A_432, %select_n3A_424, %select_n3A_436 : vector<16xi1>, vector<16xi32>
      %select_n3A_438 = arith.select %gt3A_432, %get3A_431, %select_n3A_423 : vector<16xi1>, vector<16xf32>
      %select_n3A_439 = arith.select %gt3A_432, %broadcast_in_dim3A_426, %select_n3A_424 : vector<16xi1>, vector<16xi32>
      %broadcast_in_dim3A_440 = arith.constant 29 : i32
      %broadcast_in_dim3A_441 = vector.broadcast %broadcast_in_dim3A_440 : i32 to vector<16xi32>
      %get3A_442 = arith.constant 29 : i32
      %get3A_443 = arith.index_cast %get3A_442 : i32 to index
      %get3A_444 = arith.index_cast %mul3A_4 : i32 to index
      %get3A_445 = tpu.vector_load %arg5[%get3A_443, %get3A_444] {strides = array<i32>} : memref<64x256xf32, #tpu.memory_space<vmem>>, vector<1x16xf32>,
      %get3A_446 = vector.shape_cast %get3A_445 : vector<1x16xf32> to vector<16xf32>
      %gt3A_447 = arith.cmpf ogt, %get3A_446, %select_n3A_438 : vector<16xf32>
      %gt3A_448 = arith.cmpf ogt, %get3A_446, %select_n3A_435 : vector<16xf32>
      %select_n3A_449 = arith.select %gt3A_448, %get3A_446, %select_n3A_435 : vector<16xi1>, vector<16xf32>
      %select_n3A_450 = arith.select %gt3A_447, %select_n3A_438, %select_n3A_449 : vector<16xi1>, vector<16xf32>
      %select_n3A_451 = arith.select %gt3A_448, %broadcast_in_dim3A_441, %select_n3A_437 : vector<16xi1>, vector<16xi32>
      %select_n3A_452 = arith.select %gt3A_447, %select_n3A_439, %select_n3A_451 : vector<16xi1>, vector<16xi32>
      %select_n3A_453 = arith.select %gt3A_447, %get3A_446, %select_n3A_438 : vector<16xi1>, vector<16xf32>
      %select_n3A_454 = arith.select %gt3A_447, %broadcast_in_dim3A_441, %select_n3A_439 : vector<16xi1>, vector<16xi32>
      %broadcast_in_dim3A_455 = arith.constant 30 : i32
      %broadcast_in_dim3A_456 = vector.broadcast %broadcast_in_dim3A_455 : i32 to vector<16xi32>
      %get3A_457 = arith.constant 30 : i32
      %get3A_458 = arith.index_cast %get3A_457 : i32 to index
      %get3A_459 = arith.index_cast %mul3A_4 : i32 to index
      %get3A_460 = tpu.vector_load %arg5[%get3A_458, %get3A_459] {strides = array<i32>} : memref<64x256xf32, #tpu.memory_space<vmem>>, vector<1x16xf32>,
      %get3A_461 = vector.shape_cast %get3A_460 : vector<1x16xf32> to vector<16xf32>
      %gt3A_462 = arith.cmpf ogt, %get3A_461, %select_n3A_453 : vector<16xf32>
      %gt3A_463 = arith.cmpf ogt, %get3A_461, %select_n3A_450 : vector<16xf32>
      %select_n3A_464 = arith.select %gt3A_463, %get3A_461, %select_n3A_450 : vector<16xi1>, vector<16xf32>
      %select_n3A_465 = arith.select %gt3A_462, %select_n3A_453, %select_n3A_464 : vector<16xi1>, vector<16xf32>
      %select_n3A_466 = arith.select %gt3A_463, %broadcast_in_dim3A_456, %select_n3A_452 : vector<16xi1>, vector<16xi32>
      %select_n3A_467 = arith.select %gt3A_462, %select_n3A_454, %select_n3A_466 : vector<16xi1>, vector<16xi32>
      %select_n3A_468 = arith.select %gt3A_462, %get3A_461, %select_n3A_453 : vector<16xi1>, vector<16xf32>
      %select_n3A_469 = arith.select %gt3A_462, %broadcast_in_dim3A_456, %select_n3A_454 : vector<16xi1>, vector<16xi32>
      %broadcast_in_dim3A_470 = arith.constant 31 : i32
      %broadcast_in_dim3A_471 = vector.broadcast %broadcast_in_dim3A_470 : i32 to vector<16xi32>
      %get3A_472 = arith.constant 31 : i32
      %get3A_473 = arith.index_cast %get3A_472 : i32 to index
      %get3A_474 = arith.index_cast %mul3A_4 : i32 to index
      %get3A_475 = tpu.vector_load %arg5[%get3A_473, %get3A_474] {strides = array<i32>} : memref<64x256xf32, #tpu.memory_space<vmem>>, vector<1x16xf32>,
      %get3A_476 = vector.shape_cast %get3A_475 : vector<1x16xf32> to vector<16xf32>
      %gt3A_477 = arith.cmpf ogt, %get3A_476, %select_n3A_468 : vector<16xf32>
      %gt3A_478 = arith.cmpf ogt, %get3A_476, %select_n3A_465 : vector<16xf32>
      %select_n3A_479 = arith.select %gt3A_478, %get3A_476, %select_n3A_465 : vector<16xi1>, vector<16xf32>
      %select_n3A_480 = arith.select %gt3A_477, %select_n3A_468, %select_n3A_479 : vector<16xi1>, vector<16xf32>
      %select_n3A_481 = arith.select %gt3A_478, %broadcast_in_dim3A_471, %select_n3A_467 : vector<16xi1>, vector<16xi32>
      %select_n3A_482 = arith.select %gt3A_477, %select_n3A_469, %select_n3A_481 : vector<16xi1>, vector<16xi32>
      %select_n3A_483 = arith.select %gt3A_477, %get3A_476, %select_n3A_468 : vector<16xi1>, vector<16xf32>
      %select_n3A_484 = arith.select %gt3A_477, %broadcast_in_dim3A_471, %select_n3A_469 : vector<16xi1>, vector<16xi32>
      %broadcast_in_dim3A_485 = arith.constant 32 : i32
      %broadcast_in_dim3A_486 = vector.broadcast %broadcast_in_dim3A_485 : i32 to vector<16xi32>
      %get3A_487 = arith.constant 32 : i32
      %get3A_488 = arith.index_cast %get3A_487 : i32 to index
      %get3A_489 = arith.index_cast %mul3A_4 : i32 to index
      %get3A_490 = tpu.vector_load %arg5[%get3A_488, %get3A_489] {strides = array<i32>} : memref<64x256xf32, #tpu.memory_space<vmem>>, vector<1x16xf32>,
      %get3A_491 = vector.shape_cast %get3A_490 : vector<1x16xf32> to vector<16xf32>
      %gt3A_492 = arith.cmpf ogt, %get3A_491, %select_n3A_483 : vector<16xf32>
      %gt3A_493 = arith.cmpf ogt, %get3A_491, %select_n3A_480 : vector<16xf32>
      %select_n3A_494 = arith.select %gt3A_493, %get3A_491, %select_n3A_480 : vector<16xi1>, vector<16xf32>
      %select_n3A_495 = arith.select %gt3A_492, %select_n3A_483, %select_n3A_494 : vector<16xi1>, vector<16xf32>
      %select_n3A_496 = arith.select %gt3A_493, %broadcast_in_dim3A_486, %select_n3A_482 : vector<16xi1>, vector<16xi32>
      %select_n3A_497 = arith.select %gt3A_492, %select_n3A_484, %select_n3A_496 : vector<16xi1>, vector<16xi32>
      %select_n3A_498 = arith.select %gt3A_492, %get3A_491, %select_n3A_483 : vector<16xi1>, vector<16xf32>
      %select_n3A_499 = arith.select %gt3A_492, %broadcast_in_dim3A_486, %select_n3A_484 : vector<16xi1>, vector<16xi32>
      %broadcast_in_dim3A_500 = arith.constant 33 : i32
      %broadcast_in_dim3A_501 = vector.broadcast %broadcast_in_dim3A_500 : i32 to vector<16xi32>
      %get3A_502 = arith.constant 33 : i32
      %get3A_503 = arith.index_cast %get3A_502 : i32 to index
      %get3A_504 = arith.index_cast %mul3A_4 : i32 to index
      %get3A_505 = tpu.vector_load %arg5[%get3A_503, %get3A_504] {strides = array<i32>} : memref<64x256xf32, #tpu.memory_space<vmem>>, vector<1x16xf32>,
      %get3A_506 = vector.shape_cast %get3A_505 : vector<1x16xf32> to vector<16xf32>
      %gt3A_507 = arith.cmpf ogt, %get3A_506, %select_n3A_498 : vector<16xf32>
      %gt3A_508 = arith.cmpf ogt, %get3A_506, %select_n3A_495 : vector<16xf32>
      %select_n3A_509 = arith.select %gt3A_508, %get3A_506, %select_n3A_495 : vector<16xi1>, vector<16xf32>
      %select_n3A_510 = arith.select %gt3A_507, %select_n3A_498, %select_n3A_509 : vector<16xi1>, vector<16xf32>
      %select_n3A_511 = arith.select %gt3A_508, %broadcast_in_dim3A_501, %select_n3A_497 : vector<16xi1>, vector<16xi32>
      %select_n3A_512 = arith.select %gt3A_507, %select_n3A_499, %select_n3A_511 : vector<16xi1>, vector<16xi32>
      %select_n3A_513 = arith.select %gt3A_507, %get3A_506, %select_n3A_498 : vector<16xi1>, vector<16xf32>
      %select_n3A_514 = arith.select %gt3A_507, %broadcast_in_dim3A_501, %select_n3A_499 : vector<16xi1>, vector<16xi32>
      %broadcast_in_dim3A_515 = arith.constant 34 : i32
      %broadcast_in_dim3A_516 = vector.broadcast %broadcast_in_dim3A_515 : i32 to vector<16xi32>
      %get3A_517 = arith.constant 34 : i32
      %get3A_518 = arith.index_cast %get3A_517 : i32 to index
      %get3A_519 = arith.index_cast %mul3A_4 : i32 to index
      %get3A_520 = tpu.vector_load %arg5[%get3A_518, %get3A_519] {strides = array<i32>} : memref<64x256xf32, #tpu.memory_space<vmem>>, vector<1x16xf32>,
      %get3A_521 = vector.shape_cast %get3A_520 : vector<1x16xf32> to vector<16xf32>
      %gt3A_522 = arith.cmpf ogt, %get3A_521, %select_n3A_513 : vector<16xf32>
      %gt3A_523 = arith.cmpf ogt, %get3A_521, %select_n3A_510 : vector<16xf32>
      %select_n3A_524 = arith.select %gt3A_523, %get3A_521, %select_n3A_510 : vector<16xi1>, vector<16xf32>
      %select_n3A_525 = arith.select %gt3A_522, %select_n3A_513, %select_n3A_524 : vector<16xi1>, vector<16xf32>
      %select_n3A_526 = arith.select %gt3A_523, %broadcast_in_dim3A_516, %select_n3A_512 : vector<16xi1>, vector<16xi32>
      %select_n3A_527 = arith.select %gt3A_522, %select_n3A_514, %select_n3A_526 : vector<16xi1>, vector<16xi32>
      %select_n3A_528 = arith.select %gt3A_522, %get3A_521, %select_n3A_513 : vector<16xi1>, vector<16xf32>
      %select_n3A_529 = arith.select %gt3A_522, %broadcast_in_dim3A_516, %select_n3A_514 : vector<16xi1>, vector<16xi32>
      %broadcast_in_dim3A_530 = arith.constant 35 : i32
      %broadcast_in_dim3A_531 = vector.broadcast %broadcast_in_dim3A_530 : i32 to vector<16xi32>
      %get3A_532 = arith.constant 35 : i32
      %get3A_533 = arith.index_cast %get3A_532 : i32 to index
      %get3A_534 = arith.index_cast %mul3A_4 : i32 to index
      %get3A_535 = tpu.vector_load %arg5[%get3A_533, %get3A_534] {strides = array<i32>} : memref<64x256xf32, #tpu.memory_space<vmem>>, vector<1x16xf32>,
      %get3A_536 = vector.shape_cast %get3A_535 : vector<1x16xf32> to vector<16xf32>
      %gt3A_537 = arith.cmpf ogt, %get3A_536, %select_n3A_528 : vector<16xf32>
      %gt3A_538 = arith.cmpf ogt, %get3A_536, %select_n3A_525 : vector<16xf32>
      %select_n3A_539 = arith.select %gt3A_538, %get3A_536, %select_n3A_525 : vector<16xi1>, vector<16xf32>
      %select_n3A_540 = arith.select %gt3A_537, %select_n3A_528, %select_n3A_539 : vector<16xi1>, vector<16xf32>
      %select_n3A_541 = arith.select %gt3A_538, %broadcast_in_dim3A_531, %select_n3A_527 : vector<16xi1>, vector<16xi32>
      %select_n3A_542 = arith.select %gt3A_537, %select_n3A_529, %select_n3A_541 : vector<16xi1>, vector<16xi32>
      %select_n3A_543 = arith.select %gt3A_537, %get3A_536, %select_n3A_528 : vector<16xi1>, vector<16xf32>
      %select_n3A_544 = arith.select %gt3A_537, %broadcast_in_dim3A_531, %select_n3A_529 : vector<16xi1>, vector<16xi32>
      %broadcast_in_dim3A_545 = arith.constant 36 : i32
      %broadcast_in_dim3A_546 = vector.broadcast %broadcast_in_dim3A_545 : i32 to vector<16xi32>
      %get3A_547 = arith.constant 36 : i32
      %get3A_548 = arith.index_cast %get3A_547 : i32 to index
      %get3A_549 = arith.index_cast %mul3A_4 : i32 to index
      %get3A_550 = tpu.vector_load %arg5[%get3A_548, %get3A_549] {strides = array<i32>} : memref<64x256xf32, #tpu.memory_space<vmem>>, vector<1x16xf32>,
      %get3A_551 = vector.shape_cast %get3A_550 : vector<1x16xf32> to vector<16xf32>
      %gt3A_552 = arith.cmpf ogt, %get3A_551, %select_n3A_543 : vector<16xf32>
      %gt3A_553 = arith.cmpf ogt, %get3A_551, %select_n3A_540 : vector<16xf32>
      %select_n3A_554 = arith.select %gt3A_553, %get3A_551, %select_n3A_540 : vector<16xi1>, vector<16xf32>
      %select_n3A_555 = arith.select %gt3A_552, %select_n3A_543, %select_n3A_554 : vector<16xi1>, vector<16xf32>
      %select_n3A_556 = arith.select %gt3A_553, %broadcast_in_dim3A_546, %select_n3A_542 : vector<16xi1>, vector<16xi32>
      %select_n3A_557 = arith.select %gt3A_552, %select_n3A_544, %select_n3A_556 : vector<16xi1>, vector<16xi32>
      %select_n3A_558 = arith.select %gt3A_552, %get3A_551, %select_n3A_543 : vector<16xi1>, vector<16xf32>
      %select_n3A_559 = arith.select %gt3A_552, %broadcast_in_dim3A_546, %select_n3A_544 : vector<16xi1>, vector<16xi32>
      %broadcast_in_dim3A_560 = arith.constant 37 : i32
      %broadcast_in_dim3A_561 = vector.broadcast %broadcast_in_dim3A_560 : i32 to vector<16xi32>
      %get3A_562 = arith.constant 37 : i32
      %get3A_563 = arith.index_cast %get3A_562 : i32 to index
      %get3A_564 = arith.index_cast %mul3A_4 : i32 to index
      %get3A_565 = tpu.vector_load %arg5[%get3A_563, %get3A_564] {strides = array<i32>} : memref<64x256xf32, #tpu.memory_space<vmem>>, vector<1x16xf32>,
      %get3A_566 = vector.shape_cast %get3A_565 : vector<1x16xf32> to vector<16xf32>
      %gt3A_567 = arith.cmpf ogt, %get3A_566, %select_n3A_558 : vector<16xf32>
      %gt3A_568 = arith.cmpf ogt, %get3A_566, %select_n3A_555 : vector<16xf32>
      %select_n3A_569 = arith.select %gt3A_568, %get3A_566, %select_n3A_555 : vector<16xi1>, vector<16xf32>
      %select_n3A_570 = arith.select %gt3A_567, %select_n3A_558, %select_n3A_569 : vector<16xi1>, vector<16xf32>
      %select_n3A_571 = arith.select %gt3A_568, %broadcast_in_dim3A_561, %select_n3A_557 : vector<16xi1>, vector<16xi32>
      %select_n3A_572 = arith.select %gt3A_567, %select_n3A_559, %select_n3A_571 : vector<16xi1>, vector<16xi32>
      %select_n3A_573 = arith.select %gt3A_567, %get3A_566, %select_n3A_558 : vector<16xi1>, vector<16xf32>
      %select_n3A_574 = arith.select %gt3A_567, %broadcast_in_dim3A_561, %select_n3A_559 : vector<16xi1>, vector<16xi32>
      %broadcast_in_dim3A_575 = arith.constant 38 : i32
      %broadcast_in_dim3A_576 = vector.broadcast %broadcast_in_dim3A_575 : i32 to vector<16xi32>
      %get3A_577 = arith.constant 38 : i32
      %get3A_578 = arith.index_cast %get3A_577 : i32 to index
      %get3A_579 = arith.index_cast %mul3A_4 : i32 to index
      %get3A_580 = tpu.vector_load %arg5[%get3A_578, %get3A_579] {strides = array<i32>} : memref<64x256xf32, #tpu.memory_space<vmem>>, vector<1x16xf32>,
      %get3A_581 = vector.shape_cast %get3A_580 : vector<1x16xf32> to vector<16xf32>
      %gt3A_582 = arith.cmpf ogt, %get3A_581, %select_n3A_573 : vector<16xf32>
      %gt3A_583 = arith.cmpf ogt, %get3A_581, %select_n3A_570 : vector<16xf32>
      %select_n3A_584 = arith.select %gt3A_583, %get3A_581, %select_n3A_570 : vector<16xi1>, vector<16xf32>
      %select_n3A_585 = arith.select %gt3A_582, %select_n3A_573, %select_n3A_584 : vector<16xi1>, vector<16xf32>
      %select_n3A_586 = arith.select %gt3A_583, %broadcast_in_dim3A_576, %select_n3A_572 : vector<16xi1>, vector<16xi32>
      %select_n3A_587 = arith.select %gt3A_582, %select_n3A_574, %select_n3A_586 : vector<16xi1>, vector<16xi32>
      %select_n3A_588 = arith.select %gt3A_582, %get3A_581, %select_n3A_573 : vector<16xi1>, vector<16xf32>
      %select_n3A_589 = arith.select %gt3A_582, %broadcast_in_dim3A_576, %select_n3A_574 : vector<16xi1>, vector<16xi32>
      %broadcast_in_dim3A_590 = arith.constant 39 : i32
      %broadcast_in_dim3A_591 = vector.broadcast %broadcast_in_dim3A_590 : i32 to vector<16xi32>
      %get3A_592 = arith.constant 39 : i32
      %get3A_593 = arith.index_cast %get3A_592 : i32 to index
      %get3A_594 = arith.index_cast %mul3A_4 : i32 to index
      %get3A_595 = tpu.vector_load %arg5[%get3A_593, %get3A_594] {strides = array<i32>} : memref<64x256xf32, #tpu.memory_space<vmem>>, vector<1x16xf32>,
      %get3A_596 = vector.shape_cast %get3A_595 : vector<1x16xf32> to vector<16xf32>
      %gt3A_597 = arith.cmpf ogt, %get3A_596, %select_n3A_588 : vector<16xf32>
      %gt3A_598 = arith.cmpf ogt, %get3A_596, %select_n3A_585 : vector<16xf32>
      %select_n3A_599 = arith.select %gt3A_598, %get3A_596, %select_n3A_585 : vector<16xi1>, vector<16xf32>
      %select_n3A_600 = arith.select %gt3A_597, %select_n3A_588, %select_n3A_599 : vector<16xi1>, vector<16xf32>
      %select_n3A_601 = arith.select %gt3A_598, %broadcast_in_dim3A_591, %select_n3A_587 : vector<16xi1>, vector<16xi32>
      %select_n3A_602 = arith.select %gt3A_597, %select_n3A_589, %select_n3A_601 : vector<16xi1>, vector<16xi32>
      %select_n3A_603 = arith.select %gt3A_597, %get3A_596, %select_n3A_588 : vector<16xi1>, vector<16xf32>
      %select_n3A_604 = arith.select %gt3A_597, %broadcast_in_dim3A_591, %select_n3A_589 : vector<16xi1>, vector<16xi32>
      %broadcast_in_dim3A_605 = arith.constant 40 : i32
      %broadcast_in_dim3A_606 = vector.broadcast %broadcast_in_dim3A_605 : i32 to vector<16xi32>
      %get3A_607 = arith.constant 40 : i32
      %get3A_608 = arith.index_cast %get3A_607 : i32 to index
      %get3A_609 = arith.index_cast %mul3A_4 : i32 to index
      %get3A_610 = tpu.vector_load %arg5[%get3A_608, %get3A_609] {strides = array<i32>} : memref<64x256xf32, #tpu.memory_space<vmem>>, vector<1x16xf32>,
      %get3A_611 = vector.shape_cast %get3A_610 : vector<1x16xf32> to vector<16xf32>
      %gt3A_612 = arith.cmpf ogt, %get3A_611, %select_n3A_603 : vector<16xf32>
      %gt3A_613 = arith.cmpf ogt, %get3A_611, %select_n3A_600 : vector<16xf32>
      %select_n3A_614 = arith.select %gt3A_613, %get3A_611, %select_n3A_600 : vector<16xi1>, vector<16xf32>
      %select_n3A_615 = arith.select %gt3A_612, %select_n3A_603, %select_n3A_614 : vector<16xi1>, vector<16xf32>
      %select_n3A_616 = arith.select %gt3A_613, %broadcast_in_dim3A_606, %select_n3A_602 : vector<16xi1>, vector<16xi32>
      %select_n3A_617 = arith.select %gt3A_612, %select_n3A_604, %select_n3A_616 : vector<16xi1>, vector<16xi32>
      %select_n3A_618 = arith.select %gt3A_612, %get3A_611, %select_n3A_603 : vector<16xi1>, vector<16xf32>
      %select_n3A_619 = arith.select %gt3A_612, %broadcast_in_dim3A_606, %select_n3A_604 : vector<16xi1>, vector<16xi32>
      %broadcast_in_dim3A_620 = arith.constant 41 : i32
      %broadcast_in_dim3A_621 = vector.broadcast %broadcast_in_dim3A_620 : i32 to vector<16xi32>
      %get3A_622 = arith.constant 41 : i32
      %get3A_623 = arith.index_cast %get3A_622 : i32 to index
      %get3A_624 = arith.index_cast %mul3A_4 : i32 to index
      %get3A_625 = tpu.vector_load %arg5[%get3A_623, %get3A_624] {strides = array<i32>} : memref<64x256xf32, #tpu.memory_space<vmem>>, vector<1x16xf32>,
      %get3A_626 = vector.shape_cast %get3A_625 : vector<1x16xf32> to vector<16xf32>
      %gt3A_627 = arith.cmpf ogt, %get3A_626, %select_n3A_618 : vector<16xf32>
      %gt3A_628 = arith.cmpf ogt, %get3A_626, %select_n3A_615 : vector<16xf32>
      %select_n3A_629 = arith.select %gt3A_628, %get3A_626, %select_n3A_615 : vector<16xi1>, vector<16xf32>
      %select_n3A_630 = arith.select %gt3A_627, %select_n3A_618, %select_n3A_629 : vector<16xi1>, vector<16xf32>
      %select_n3A_631 = arith.select %gt3A_628, %broadcast_in_dim3A_621, %select_n3A_617 : vector<16xi1>, vector<16xi32>
      %select_n3A_632 = arith.select %gt3A_627, %select_n3A_619, %select_n3A_631 : vector<16xi1>, vector<16xi32>
      %select_n3A_633 = arith.select %gt3A_627, %get3A_626, %select_n3A_618 : vector<16xi1>, vector<16xf32>
      %select_n3A_634 = arith.select %gt3A_627, %broadcast_in_dim3A_621, %select_n3A_619 : vector<16xi1>, vector<16xi32>
      %broadcast_in_dim3A_635 = arith.constant 42 : i32
      %broadcast_in_dim3A_636 = vector.broadcast %broadcast_in_dim3A_635 : i32 to vector<16xi32>
      %get3A_637 = arith.constant 42 : i32
      %get3A_638 = arith.index_cast %get3A_637 : i32 to index
      %get3A_639 = arith.index_cast %mul3A_4 : i32 to index
      %get3A_640 = tpu.vector_load %arg5[%get3A_638, %get3A_639] {strides = array<i32>} : memref<64x256xf32, #tpu.memory_space<vmem>>, vector<1x16xf32>,
      %get3A_641 = vector.shape_cast %get3A_640 : vector<1x16xf32> to vector<16xf32>
      %gt3A_642 = arith.cmpf ogt, %get3A_641, %select_n3A_633 : vector<16xf32>
      %gt3A_643 = arith.cmpf ogt, %get3A_641, %select_n3A_630 : vector<16xf32>
      %select_n3A_644 = arith.select %gt3A_643, %get3A_641, %select_n3A_630 : vector<16xi1>, vector<16xf32>
      %select_n3A_645 = arith.select %gt3A_642, %select_n3A_633, %select_n3A_644 : vector<16xi1>, vector<16xf32>
      %select_n3A_646 = arith.select %gt3A_643, %broadcast_in_dim3A_636, %select_n3A_632 : vector<16xi1>, vector<16xi32>
      %select_n3A_647 = arith.select %gt3A_642, %select_n3A_634, %select_n3A_646 : vector<16xi1>, vector<16xi32>
      %select_n3A_648 = arith.select %gt3A_642, %get3A_641, %select_n3A_633 : vector<16xi1>, vector<16xf32>
      %select_n3A_649 = arith.select %gt3A_642, %broadcast_in_dim3A_636, %select_n3A_634 : vector<16xi1>, vector<16xi32>
      %broadcast_in_dim3A_650 = arith.constant 43 : i32
      %broadcast_in_dim3A_651 = vector.broadcast %broadcast_in_dim3A_650 : i32 to vector<16xi32>
      %get3A_652 = arith.constant 43 : i32
      %get3A_653 = arith.index_cast %get3A_652 : i32 to index
      %get3A_654 = arith.index_cast %mul3A_4 : i32 to index
      %get3A_655 = tpu.vector_load %arg5[%get3A_653, %get3A_654] {strides = array<i32>} : memref<64x256xf32, #tpu.memory_space<vmem>>, vector<1x16xf32>,
      %get3A_656 = vector.shape_cast %get3A_655 : vector<1x16xf32> to vector<16xf32>
      %gt3A_657 = arith.cmpf ogt, %get3A_656, %select_n3A_648 : vector<16xf32>
      %gt3A_658 = arith.cmpf ogt, %get3A_656, %select_n3A_645 : vector<16xf32>
      %select_n3A_659 = arith.select %gt3A_658, %get3A_656, %select_n3A_645 : vector<16xi1>, vector<16xf32>
      %select_n3A_660 = arith.select %gt3A_657, %select_n3A_648, %select_n3A_659 : vector<16xi1>, vector<16xf32>
      %select_n3A_661 = arith.select %gt3A_658, %broadcast_in_dim3A_651, %select_n3A_647 : vector<16xi1>, vector<16xi32>
      %select_n3A_662 = arith.select %gt3A_657, %select_n3A_649, %select_n3A_661 : vector<16xi1>, vector<16xi32>
      %select_n3A_663 = arith.select %gt3A_657, %get3A_656, %select_n3A_648 : vector<16xi1>, vector<16xf32>
      %select_n3A_664 = arith.select %gt3A_657, %broadcast_in_dim3A_651, %select_n3A_649 : vector<16xi1>, vector<16xi32>
      %broadcast_in_dim3A_665 = arith.constant 44 : i32
      %broadcast_in_dim3A_666 = vector.broadcast %broadcast_in_dim3A_665 : i32 to vector<16xi32>
      %get3A_667 = arith.constant 44 : i32
      %get3A_668 = arith.index_cast %get3A_667 : i32 to index
      %get3A_669 = arith.index_cast %mul3A_4 : i32 to index
      %get3A_670 = tpu.vector_load %arg5[%get3A_668, %get3A_669] {strides = array<i32>} : memref<64x256xf32, #tpu.memory_space<vmem>>, vector<1x16xf32>,
      %get3A_671 = vector.shape_cast %get3A_670 : vector<1x16xf32> to vector<16xf32>
      %gt3A_672 = arith.cmpf ogt, %get3A_671, %select_n3A_663 : vector<16xf32>
      %gt3A_673 = arith.cmpf ogt, %get3A_671, %select_n3A_660 : vector<16xf32>
      %select_n3A_674 = arith.select %gt3A_673, %get3A_671, %select_n3A_660 : vector<16xi1>, vector<16xf32>
      %select_n3A_675 = arith.select %gt3A_672, %select_n3A_663, %select_n3A_674 : vector<16xi1>, vector<16xf32>
      %select_n3A_676 = arith.select %gt3A_673, %broadcast_in_dim3A_666, %select_n3A_662 : vector<16xi1>, vector<16xi32>
      %select_n3A_677 = arith.select %gt3A_672, %select_n3A_664, %select_n3A_676 : vector<16xi1>, vector<16xi32>
      %select_n3A_678 = arith.select %gt3A_672, %get3A_671, %select_n3A_663 : vector<16xi1>, vector<16xf32>
      %select_n3A_679 = arith.select %gt3A_672, %broadcast_in_dim3A_666, %select_n3A_664 : vector<16xi1>, vector<16xi32>
      %broadcast_in_dim3A_680 = arith.constant 45 : i32
      %broadcast_in_dim3A_681 = vector.broadcast %broadcast_in_dim3A_680 : i32 to vector<16xi32>
      %get3A_682 = arith.constant 45 : i32
      %get3A_683 = arith.index_cast %get3A_682 : i32 to index
      %get3A_684 = arith.index_cast %mul3A_4 : i32 to index
      %get3A_685 = tpu.vector_load %arg5[%get3A_683, %get3A_684] {strides = array<i32>} : memref<64x256xf32, #tpu.memory_space<vmem>>, vector<1x16xf32>,
      %get3A_686 = vector.shape_cast %get3A_685 : vector<1x16xf32> to vector<16xf32>
      %gt3A_687 = arith.cmpf ogt, %get3A_686, %select_n3A_678 : vector<16xf32>
      %gt3A_688 = arith.cmpf ogt, %get3A_686, %select_n3A_675 : vector<16xf32>
      %select_n3A_689 = arith.select %gt3A_688, %get3A_686, %select_n3A_675 : vector<16xi1>, vector<16xf32>
      %select_n3A_690 = arith.select %gt3A_687, %select_n3A_678, %select_n3A_689 : vector<16xi1>, vector<16xf32>
      %select_n3A_691 = arith.select %gt3A_688, %broadcast_in_dim3A_681, %select_n3A_677 : vector<16xi1>, vector<16xi32>
      %select_n3A_692 = arith.select %gt3A_687, %select_n3A_679, %select_n3A_691 : vector<16xi1>, vector<16xi32>
      %select_n3A_693 = arith.select %gt3A_687, %get3A_686, %select_n3A_678 : vector<16xi1>, vector<16xf32>
      %select_n3A_694 = arith.select %gt3A_687, %broadcast_in_dim3A_681, %select_n3A_679 : vector<16xi1>, vector<16xi32>
      %broadcast_in_dim3A_695 = arith.constant 46 : i32
      %broadcast_in_dim3A_696 = vector.broadcast %broadcast_in_dim3A_695 : i32 to vector<16xi32>
      %get3A_697 = arith.constant 46 : i32
      %get3A_698 = arith.index_cast %get3A_697 : i32 to index
      %get3A_699 = arith.index_cast %mul3A_4 : i32 to index
      %get3A_700 = tpu.vector_load %arg5[%get3A_698, %get3A_699] {strides = array<i32>} : memref<64x256xf32, #tpu.memory_space<vmem>>, vector<1x16xf32>,
      %get3A_701 = vector.shape_cast %get3A_700 : vector<1x16xf32> to vector<16xf32>
      %gt3A_702 = arith.cmpf ogt, %get3A_701, %select_n3A_693 : vector<16xf32>
      %gt3A_703 = arith.cmpf ogt, %get3A_701, %select_n3A_690 : vector<16xf32>
      %select_n3A_704 = arith.select %gt3A_703, %get3A_701, %select_n3A_690 : vector<16xi1>, vector<16xf32>
      %select_n3A_705 = arith.select %gt3A_702, %select_n3A_693, %select_n3A_704 : vector<16xi1>, vector<16xf32>
      %select_n3A_706 = arith.select %gt3A_703, %broadcast_in_dim3A_696, %select_n3A_692 : vector<16xi1>, vector<16xi32>
      %select_n3A_707 = arith.select %gt3A_702, %select_n3A_694, %select_n3A_706 : vector<16xi1>, vector<16xi32>
      %select_n3A_708 = arith.select %gt3A_702, %get3A_701, %select_n3A_693 : vector<16xi1>, vector<16xf32>
      %select_n3A_709 = arith.select %gt3A_702, %broadcast_in_dim3A_696, %select_n3A_694 : vector<16xi1>, vector<16xi32>
      %broadcast_in_dim3A_710 = arith.constant 47 : i32
      %broadcast_in_dim3A_711 = vector.broadcast %broadcast_in_dim3A_710 : i32 to vector<16xi32>
      %get3A_712 = arith.constant 47 : i32
      %get3A_713 = arith.index_cast %get3A_712 : i32 to index
      %get3A_714 = arith.index_cast %mul3A_4 : i32 to index
      %get3A_715 = tpu.vector_load %arg5[%get3A_713, %get3A_714] {strides = array<i32>} : memref<64x256xf32, #tpu.memory_space<vmem>>, vector<1x16xf32>,
      %get3A_716 = vector.shape_cast %get3A_715 : vector<1x16xf32> to vector<16xf32>
      %gt3A_717 = arith.cmpf ogt, %get3A_716, %select_n3A_708 : vector<16xf32>
      %gt3A_718 = arith.cmpf ogt, %get3A_716, %select_n3A_705 : vector<16xf32>
      %select_n3A_719 = arith.select %gt3A_718, %get3A_716, %select_n3A_705 : vector<16xi1>, vector<16xf32>
      %select_n3A_720 = arith.select %gt3A_717, %select_n3A_708, %select_n3A_719 : vector<16xi1>, vector<16xf32>
      %select_n3A_721 = arith.select %gt3A_718, %broadcast_in_dim3A_711, %select_n3A_707 : vector<16xi1>, vector<16xi32>
      %select_n3A_722 = arith.select %gt3A_717, %select_n3A_709, %select_n3A_721 : vector<16xi1>, vector<16xi32>
      %select_n3A_723 = arith.select %gt3A_717, %get3A_716, %select_n3A_708 : vector<16xi1>, vector<16xf32>
      %select_n3A_724 = arith.select %gt3A_717, %broadcast_in_dim3A_711, %select_n3A_709 : vector<16xi1>, vector<16xi32>
      %broadcast_in_dim3A_725 = arith.constant 48 : i32
      %broadcast_in_dim3A_726 = vector.broadcast %broadcast_in_dim3A_725 : i32 to vector<16xi32>
      %get3A_727 = arith.constant 48 : i32
      %get3A_728 = arith.index_cast %get3A_727 : i32 to index
      %get3A_729 = arith.index_cast %mul3A_4 : i32 to index
      %get3A_730 = tpu.vector_load %arg5[%get3A_728, %get3A_729] {strides = array<i32>} : memref<64x256xf32, #tpu.memory_space<vmem>>, vector<1x16xf32>,
      %get3A_731 = vector.shape_cast %get3A_730 : vector<1x16xf32> to vector<16xf32>
      %gt3A_732 = arith.cmpf ogt, %get3A_731, %select_n3A_723 : vector<16xf32>
      %gt3A_733 = arith.cmpf ogt, %get3A_731, %select_n3A_720 : vector<16xf32>
      %select_n3A_734 = arith.select %gt3A_733, %get3A_731, %select_n3A_720 : vector<16xi1>, vector<16xf32>
      %select_n3A_735 = arith.select %gt3A_732, %select_n3A_723, %select_n3A_734 : vector<16xi1>, vector<16xf32>
      %select_n3A_736 = arith.select %gt3A_733, %broadcast_in_dim3A_726, %select_n3A_722 : vector<16xi1>, vector<16xi32>
      %select_n3A_737 = arith.select %gt3A_732, %select_n3A_724, %select_n3A_736 : vector<16xi1>, vector<16xi32>
      %select_n3A_738 = arith.select %gt3A_732, %get3A_731, %select_n3A_723 : vector<16xi1>, vector<16xf32>
      %select_n3A_739 = arith.select %gt3A_732, %broadcast_in_dim3A_726, %select_n3A_724 : vector<16xi1>, vector<16xi32>
      %broadcast_in_dim3A_740 = arith.constant 49 : i32
      %broadcast_in_dim3A_741 = vector.broadcast %broadcast_in_dim3A_740 : i32 to vector<16xi32>
      %get3A_742 = arith.constant 49 : i32
      %get3A_743 = arith.index_cast %get3A_742 : i32 to index
      %get3A_744 = arith.index_cast %mul3A_4 : i32 to index
      %get3A_745 = tpu.vector_load %arg5[%get3A_743, %get3A_744] {strides = array<i32>} : memref<64x256xf32, #tpu.memory_space<vmem>>, vector<1x16xf32>,
      %get3A_746 = vector.shape_cast %get3A_745 : vector<1x16xf32> to vector<16xf32>
      %gt3A_747 = arith.cmpf ogt, %get3A_746, %select_n3A_738 : vector<16xf32>
      %gt3A_748 = arith.cmpf ogt, %get3A_746, %select_n3A_735 : vector<16xf32>
      %select_n3A_749 = arith.select %gt3A_748, %get3A_746, %select_n3A_735 : vector<16xi1>, vector<16xf32>
      %select_n3A_750 = arith.select %gt3A_747, %select_n3A_738, %select_n3A_749 : vector<16xi1>, vector<16xf32>
      %select_n3A_751 = arith.select %gt3A_748, %broadcast_in_dim3A_741, %select_n3A_737 : vector<16xi1>, vector<16xi32>
      %select_n3A_752 = arith.select %gt3A_747, %select_n3A_739, %select_n3A_751 : vector<16xi1>, vector<16xi32>
      %select_n3A_753 = arith.select %gt3A_747, %get3A_746, %select_n3A_738 : vector<16xi1>, vector<16xf32>
      %select_n3A_754 = arith.select %gt3A_747, %broadcast_in_dim3A_741, %select_n3A_739 : vector<16xi1>, vector<16xi32>
      %broadcast_in_dim3A_755 = arith.constant 50 : i32
      %broadcast_in_dim3A_756 = vector.broadcast %broadcast_in_dim3A_755 : i32 to vector<16xi32>
      %get3A_757 = arith.constant 50 : i32
      %get3A_758 = arith.index_cast %get3A_757 : i32 to index
      %get3A_759 = arith.index_cast %mul3A_4 : i32 to index
      %get3A_760 = tpu.vector_load %arg5[%get3A_758, %get3A_759] {strides = array<i32>} : memref<64x256xf32, #tpu.memory_space<vmem>>, vector<1x16xf32>,
      %get3A_761 = vector.shape_cast %get3A_760 : vector<1x16xf32> to vector<16xf32>
      %gt3A_762 = arith.cmpf ogt, %get3A_761, %select_n3A_753 : vector<16xf32>
      %gt3A_763 = arith.cmpf ogt, %get3A_761, %select_n3A_750 : vector<16xf32>
      %select_n3A_764 = arith.select %gt3A_763, %get3A_761, %select_n3A_750 : vector<16xi1>, vector<16xf32>
      %select_n3A_765 = arith.select %gt3A_762, %select_n3A_753, %select_n3A_764 : vector<16xi1>, vector<16xf32>
      %select_n3A_766 = arith.select %gt3A_763, %broadcast_in_dim3A_756, %select_n3A_752 : vector<16xi1>, vector<16xi32>
      %select_n3A_767 = arith.select %gt3A_762, %select_n3A_754, %select_n3A_766 : vector<16xi1>, vector<16xi32>
      %select_n3A_768 = arith.select %gt3A_762, %get3A_761, %select_n3A_753 : vector<16xi1>, vector<16xf32>
      %select_n3A_769 = arith.select %gt3A_762, %broadcast_in_dim3A_756, %select_n3A_754 : vector<16xi1>, vector<16xi32>
      %broadcast_in_dim3A_770 = arith.constant 51 : i32
      %broadcast_in_dim3A_771 = vector.broadcast %broadcast_in_dim3A_770 : i32 to vector<16xi32>
      %get3A_772 = arith.constant 51 : i32
      %get3A_773 = arith.index_cast %get3A_772 : i32 to index
      %get3A_774 = arith.index_cast %mul3A_4 : i32 to index
      %get3A_775 = tpu.vector_load %arg5[%get3A_773, %get3A_774] {strides = array<i32>} : memref<64x256xf32, #tpu.memory_space<vmem>>, vector<1x16xf32>,
      %get3A_776 = vector.shape_cast %get3A_775 : vector<1x16xf32> to vector<16xf32>
      %gt3A_777 = arith.cmpf ogt, %get3A_776, %select_n3A_768 : vector<16xf32>
      %gt3A_778 = arith.cmpf ogt, %get3A_776, %select_n3A_765 : vector<16xf32>
      %select_n3A_779 = arith.select %gt3A_778, %get3A_776, %select_n3A_765 : vector<16xi1>, vector<16xf32>
      %select_n3A_780 = arith.select %gt3A_777, %select_n3A_768, %select_n3A_779 : vector<16xi1>, vector<16xf32>
      %select_n3A_781 = arith.select %gt3A_778, %broadcast_in_dim3A_771, %select_n3A_767 : vector<16xi1>, vector<16xi32>
      %select_n3A_782 = arith.select %gt3A_777, %select_n3A_769, %select_n3A_781 : vector<16xi1>, vector<16xi32>
      %select_n3A_783 = arith.select %gt3A_777, %get3A_776, %select_n3A_768 : vector<16xi1>, vector<16xf32>
      %select_n3A_784 = arith.select %gt3A_777, %broadcast_in_dim3A_771, %select_n3A_769 : vector<16xi1>, vector<16xi32>
      %broadcast_in_dim3A_785 = arith.constant 52 : i32
      %broadcast_in_dim3A_786 = vector.broadcast %broadcast_in_dim3A_785 : i32 to vector<16xi32>
      %get3A_787 = arith.constant 52 : i32
      %get3A_788 = arith.index_cast %get3A_787 : i32 to index
      %get3A_789 = arith.index_cast %mul3A_4 : i32 to index
      %get3A_790 = tpu.vector_load %arg5[%get3A_788, %get3A_789] {strides = array<i32>} : memref<64x256xf32, #tpu.memory_space<vmem>>, vector<1x16xf32>,
      %get3A_791 = vector.shape_cast %get3A_790 : vector<1x16xf32> to vector<16xf32>
      %gt3A_792 = arith.cmpf ogt, %get3A_791, %select_n3A_783 : vector<16xf32>
      %gt3A_793 = arith.cmpf ogt, %get3A_791, %select_n3A_780 : vector<16xf32>
      %select_n3A_794 = arith.select %gt3A_793, %get3A_791, %select_n3A_780 : vector<16xi1>, vector<16xf32>
      %select_n3A_795 = arith.select %gt3A_792, %select_n3A_783, %select_n3A_794 : vector<16xi1>, vector<16xf32>
      %select_n3A_796 = arith.select %gt3A_793, %broadcast_in_dim3A_786, %select_n3A_782 : vector<16xi1>, vector<16xi32>
      %select_n3A_797 = arith.select %gt3A_792, %select_n3A_784, %select_n3A_796 : vector<16xi1>, vector<16xi32>
      %select_n3A_798 = arith.select %gt3A_792, %get3A_791, %select_n3A_783 : vector<16xi1>, vector<16xf32>
      %select_n3A_799 = arith.select %gt3A_792, %broadcast_in_dim3A_786, %select_n3A_784 : vector<16xi1>, vector<16xi32>
      %broadcast_in_dim3A_800 = arith.constant 53 : i32
      %broadcast_in_dim3A_801 = vector.broadcast %broadcast_in_dim3A_800 : i32 to vector<16xi32>
      %get3A_802 = arith.constant 53 : i32
      %get3A_803 = arith.index_cast %get3A_802 : i32 to index
      %get3A_804 = arith.index_cast %mul3A_4 : i32 to index
      %get3A_805 = tpu.vector_load %arg5[%get3A_803, %get3A_804] {strides = array<i32>} : memref<64x256xf32, #tpu.memory_space<vmem>>, vector<1x16xf32>,
      %get3A_806 = vector.shape_cast %get3A_805 : vector<1x16xf32> to vector<16xf32>
      %gt3A_807 = arith.cmpf ogt, %get3A_806, %select_n3A_798 : vector<16xf32>
      %gt3A_808 = arith.cmpf ogt, %get3A_806, %select_n3A_795 : vector<16xf32>
      %select_n3A_809 = arith.select %gt3A_808, %get3A_806, %select_n3A_795 : vector<16xi1>, vector<16xf32>
      %select_n3A_810 = arith.select %gt3A_807, %select_n3A_798, %select_n3A_809 : vector<16xi1>, vector<16xf32>
      %select_n3A_811 = arith.select %gt3A_808, %broadcast_in_dim3A_801, %select_n3A_797 : vector<16xi1>, vector<16xi32>
      %select_n3A_812 = arith.select %gt3A_807, %select_n3A_799, %select_n3A_811 : vector<16xi1>, vector<16xi32>
      %select_n3A_813 = arith.select %gt3A_807, %get3A_806, %select_n3A_798 : vector<16xi1>, vector<16xf32>
      %select_n3A_814 = arith.select %gt3A_807, %broadcast_in_dim3A_801, %select_n3A_799 : vector<16xi1>, vector<16xi32>
      %broadcast_in_dim3A_815 = arith.constant 54 : i32
      %broadcast_in_dim3A_816 = vector.broadcast %broadcast_in_dim3A_815 : i32 to vector<16xi32>
      %get3A_817 = arith.constant 54 : i32
      %get3A_818 = arith.index_cast %get3A_817 : i32 to index
      %get3A_819 = arith.index_cast %mul3A_4 : i32 to index
      %get3A_820 = tpu.vector_load %arg5[%get3A_818, %get3A_819] {strides = array<i32>} : memref<64x256xf32, #tpu.memory_space<vmem>>, vector<1x16xf32>,
      %get3A_821 = vector.shape_cast %get3A_820 : vector<1x16xf32> to vector<16xf32>
      %gt3A_822 = arith.cmpf ogt, %get3A_821, %select_n3A_813 : vector<16xf32>
      %gt3A_823 = arith.cmpf ogt, %get3A_821, %select_n3A_810 : vector<16xf32>
      %select_n3A_824 = arith.select %gt3A_823, %get3A_821, %select_n3A_810 : vector<16xi1>, vector<16xf32>
      %select_n3A_825 = arith.select %gt3A_822, %select_n3A_813, %select_n3A_824 : vector<16xi1>, vector<16xf32>
      %select_n3A_826 = arith.select %gt3A_823, %broadcast_in_dim3A_816, %select_n3A_812 : vector<16xi1>, vector<16xi32>
      %select_n3A_827 = arith.select %gt3A_822, %select_n3A_814, %select_n3A_826 : vector<16xi1>, vector<16xi32>
      %select_n3A_828 = arith.select %gt3A_822, %get3A_821, %select_n3A_813 : vector<16xi1>, vector<16xf32>
      %select_n3A_829 = arith.select %gt3A_822, %broadcast_in_dim3A_816, %select_n3A_814 : vector<16xi1>, vector<16xi32>
      %broadcast_in_dim3A_830 = arith.constant 55 : i32
      %broadcast_in_dim3A_831 = vector.broadcast %broadcast_in_dim3A_830 : i32 to vector<16xi32>
      %get3A_832 = arith.constant 55 : i32
      %get3A_833 = arith.index_cast %get3A_832 : i32 to index
      %get3A_834 = arith.index_cast %mul3A_4 : i32 to index
      %get3A_835 = tpu.vector_load %arg5[%get3A_833, %get3A_834] {strides = array<i32>} : memref<64x256xf32, #tpu.memory_space<vmem>>, vector<1x16xf32>,
      %get3A_836 = vector.shape_cast %get3A_835 : vector<1x16xf32> to vector<16xf32>
      %gt3A_837 = arith.cmpf ogt, %get3A_836, %select_n3A_828 : vector<16xf32>
      %gt3A_838 = arith.cmpf ogt, %get3A_836, %select_n3A_825 : vector<16xf32>
      %select_n3A_839 = arith.select %gt3A_838, %get3A_836, %select_n3A_825 : vector<16xi1>, vector<16xf32>
      %select_n3A_840 = arith.select %gt3A_837, %select_n3A_828, %select_n3A_839 : vector<16xi1>, vector<16xf32>
      %select_n3A_841 = arith.select %gt3A_838, %broadcast_in_dim3A_831, %select_n3A_827 : vector<16xi1>, vector<16xi32>
      %select_n3A_842 = arith.select %gt3A_837, %select_n3A_829, %select_n3A_841 : vector<16xi1>, vector<16xi32>
      %select_n3A_843 = arith.select %gt3A_837, %get3A_836, %select_n3A_828 : vector<16xi1>, vector<16xf32>
      %select_n3A_844 = arith.select %gt3A_837, %broadcast_in_dim3A_831, %select_n3A_829 : vector<16xi1>, vector<16xi32>
      %broadcast_in_dim3A_845 = arith.constant 56 : i32
      %broadcast_in_dim3A_846 = vector.broadcast %broadcast_in_dim3A_845 : i32 to vector<16xi32>
      %get3A_847 = arith.constant 56 : i32
      %get3A_848 = arith.index_cast %get3A_847 : i32 to index
      %get3A_849 = arith.index_cast %mul3A_4 : i32 to index
      %get3A_850 = tpu.vector_load %arg5[%get3A_848, %get3A_849] {strides = array<i32>} : memref<64x256xf32, #tpu.memory_space<vmem>>, vector<1x16xf32>,
      %get3A_851 = vector.shape_cast %get3A_850 : vector<1x16xf32> to vector<16xf32>
      %gt3A_852 = arith.cmpf ogt, %get3A_851, %select_n3A_843 : vector<16xf32>
      %gt3A_853 = arith.cmpf ogt, %get3A_851, %select_n3A_840 : vector<16xf32>
      %select_n3A_854 = arith.select %gt3A_853, %get3A_851, %select_n3A_840 : vector<16xi1>, vector<16xf32>
      %select_n3A_855 = arith.select %gt3A_852, %select_n3A_843, %select_n3A_854 : vector<16xi1>, vector<16xf32>
      %select_n3A_856 = arith.select %gt3A_853, %broadcast_in_dim3A_846, %select_n3A_842 : vector<16xi1>, vector<16xi32>
      %select_n3A_857 = arith.select %gt3A_852, %select_n3A_844, %select_n3A_856 : vector<16xi1>, vector<16xi32>
      %select_n3A_858 = arith.select %gt3A_852, %get3A_851, %select_n3A_843 : vector<16xi1>, vector<16xf32>
      %select_n3A_859 = arith.select %gt3A_852, %broadcast_in_dim3A_846, %select_n3A_844 : vector<16xi1>, vector<16xi32>
      %broadcast_in_dim3A_860 = arith.constant 57 : i32
      %broadcast_in_dim3A_861 = vector.broadcast %broadcast_in_dim3A_860 : i32 to vector<16xi32>
      %get3A_862 = arith.constant 57 : i32
      %get3A_863 = arith.index_cast %get3A_862 : i32 to index
      %get3A_864 = arith.index_cast %mul3A_4 : i32 to index
      %get3A_865 = tpu.vector_load %arg5[%get3A_863, %get3A_864] {strides = array<i32>} : memref<64x256xf32, #tpu.memory_space<vmem>>, vector<1x16xf32>,
      %get3A_866 = vector.shape_cast %get3A_865 : vector<1x16xf32> to vector<16xf32>
      %gt3A_867 = arith.cmpf ogt, %get3A_866, %select_n3A_858 : vector<16xf32>
      %gt3A_868 = arith.cmpf ogt, %get3A_866, %select_n3A_855 : vector<16xf32>
      %select_n3A_869 = arith.select %gt3A_868, %get3A_866, %select_n3A_855 : vector<16xi1>, vector<16xf32>
      %select_n3A_870 = arith.select %gt3A_867, %select_n3A_858, %select_n3A_869 : vector<16xi1>, vector<16xf32>
      %select_n3A_871 = arith.select %gt3A_868, %broadcast_in_dim3A_861, %select_n3A_857 : vector<16xi1>, vector<16xi32>
      %select_n3A_872 = arith.select %gt3A_867, %select_n3A_859, %select_n3A_871 : vector<16xi1>, vector<16xi32>
      %select_n3A_873 = arith.select %gt3A_867, %get3A_866, %select_n3A_858 : vector<16xi1>, vector<16xf32>
      %select_n3A_874 = arith.select %gt3A_867, %broadcast_in_dim3A_861, %select_n3A_859 : vector<16xi1>, vector<16xi32>
      %broadcast_in_dim3A_875 = arith.constant 58 : i32
      %broadcast_in_dim3A_876 = vector.broadcast %broadcast_in_dim3A_875 : i32 to vector<16xi32>
      %get3A_877 = arith.constant 58 : i32
      %get3A_878 = arith.index_cast %get3A_877 : i32 to index
      %get3A_879 = arith.index_cast %mul3A_4 : i32 to index
      %get3A_880 = tpu.vector_load %arg5[%get3A_878, %get3A_879] {strides = array<i32>} : memref<64x256xf32, #tpu.memory_space<vmem>>, vector<1x16xf32>,
      %get3A_881 = vector.shape_cast %get3A_880 : vector<1x16xf32> to vector<16xf32>
      %gt3A_882 = arith.cmpf ogt, %get3A_881, %select_n3A_873 : vector<16xf32>
      %gt3A_883 = arith.cmpf ogt, %get3A_881, %select_n3A_870 : vector<16xf32>
      %select_n3A_884 = arith.select %gt3A_883, %get3A_881, %select_n3A_870 : vector<16xi1>, vector<16xf32>
      %select_n3A_885 = arith.select %gt3A_882, %select_n3A_873, %select_n3A_884 : vector<16xi1>, vector<16xf32>
      %select_n3A_886 = arith.select %gt3A_883, %broadcast_in_dim3A_876, %select_n3A_872 : vector<16xi1>, vector<16xi32>
      %select_n3A_887 = arith.select %gt3A_882, %select_n3A_874, %select_n3A_886 : vector<16xi1>, vector<16xi32>
      %select_n3A_888 = arith.select %gt3A_882, %get3A_881, %select_n3A_873 : vector<16xi1>, vector<16xf32>
      %select_n3A_889 = arith.select %gt3A_882, %broadcast_in_dim3A_876, %select_n3A_874 : vector<16xi1>, vector<16xi32>
      %broadcast_in_dim3A_890 = arith.constant 59 : i32
      %broadcast_in_dim3A_891 = vector.broadcast %broadcast_in_dim3A_890 : i32 to vector<16xi32>
      %get3A_892 = arith.constant 59 : i32
      %get3A_893 = arith.index_cast %get3A_892 : i32 to index
      %get3A_894 = arith.index_cast %mul3A_4 : i32 to index
      %get3A_895 = tpu.vector_load %arg5[%get3A_893, %get3A_894] {strides = array<i32>} : memref<64x256xf32, #tpu.memory_space<vmem>>, vector<1x16xf32>,
      %get3A_896 = vector.shape_cast %get3A_895 : vector<1x16xf32> to vector<16xf32>
      %gt3A_897 = arith.cmpf ogt, %get3A_896, %select_n3A_888 : vector<16xf32>
      %gt3A_898 = arith.cmpf ogt, %get3A_896, %select_n3A_885 : vector<16xf32>
      %select_n3A_899 = arith.select %gt3A_898, %get3A_896, %select_n3A_885 : vector<16xi1>, vector<16xf32>
      %select_n3A_900 = arith.select %gt3A_897, %select_n3A_888, %select_n3A_899 : vector<16xi1>, vector<16xf32>
      %select_n3A_901 = arith.select %gt3A_898, %broadcast_in_dim3A_891, %select_n3A_887 : vector<16xi1>, vector<16xi32>
      %select_n3A_902 = arith.select %gt3A_897, %select_n3A_889, %select_n3A_901 : vector<16xi1>, vector<16xi32>
      %select_n3A_903 = arith.select %gt3A_897, %get3A_896, %select_n3A_888 : vector<16xi1>, vector<16xf32>
      %select_n3A_904 = arith.select %gt3A_897, %broadcast_in_dim3A_891, %select_n3A_889 : vector<16xi1>, vector<16xi32>
      %broadcast_in_dim3A_905 = arith.constant 60 : i32
      %broadcast_in_dim3A_906 = vector.broadcast %broadcast_in_dim3A_905 : i32 to vector<16xi32>
      %get3A_907 = arith.constant 60 : i32
      %get3A_908 = arith.index_cast %get3A_907 : i32 to index
      %get3A_909 = arith.index_cast %mul3A_4 : i32 to index
      %get3A_910 = tpu.vector_load %arg5[%get3A_908, %get3A_909] {strides = array<i32>} : memref<64x256xf32, #tpu.memory_space<vmem>>, vector<1x16xf32>,
      %get3A_911 = vector.shape_cast %get3A_910 : vector<1x16xf32> to vector<16xf32>
      %gt3A_912 = arith.cmpf ogt, %get3A_911, %select_n3A_903 : vector<16xf32>
      %gt3A_913 = arith.cmpf ogt, %get3A_911, %select_n3A_900 : vector<16xf32>
      %select_n3A_914 = arith.select %gt3A_913, %get3A_911, %select_n3A_900 : vector<16xi1>, vector<16xf32>
      %select_n3A_915 = arith.select %gt3A_912, %select_n3A_903, %select_n3A_914 : vector<16xi1>, vector<16xf32>
      %select_n3A_916 = arith.select %gt3A_913, %broadcast_in_dim3A_906, %select_n3A_902 : vector<16xi1>, vector<16xi32>
      %select_n3A_917 = arith.select %gt3A_912, %select_n3A_904, %select_n3A_916 : vector<16xi1>, vector<16xi32>
      %select_n3A_918 = arith.select %gt3A_912, %get3A_911, %select_n3A_903 : vector<16xi1>, vector<16xf32>
      %select_n3A_919 = arith.select %gt3A_912, %broadcast_in_dim3A_906, %select_n3A_904 : vector<16xi1>, vector<16xi32>
      %broadcast_in_dim3A_920 = arith.constant 61 : i32
      %broadcast_in_dim3A_921 = vector.broadcast %broadcast_in_dim3A_920 : i32 to vector<16xi32>
      %get3A_922 = arith.constant 61 : i32
      %get3A_923 = arith.index_cast %get3A_922 : i32 to index
      %get3A_924 = arith.index_cast %mul3A_4 : i32 to index
      %get3A_925 = tpu.vector_load %arg5[%get3A_923, %get3A_924] {strides = array<i32>} : memref<64x256xf32, #tpu.memory_space<vmem>>, vector<1x16xf32>,
      %get3A_926 = vector.shape_cast %get3A_925 : vector<1x16xf32> to vector<16xf32>
      %gt3A_927 = arith.cmpf ogt, %get3A_926, %select_n3A_918 : vector<16xf32>
      %gt3A_928 = arith.cmpf ogt, %get3A_926, %select_n3A_915 : vector<16xf32>
      %select_n3A_929 = arith.select %gt3A_928, %get3A_926, %select_n3A_915 : vector<16xi1>, vector<16xf32>
      %select_n3A_930 = arith.select %gt3A_927, %select_n3A_918, %select_n3A_929 : vector<16xi1>, vector<16xf32>
      %select_n3A_931 = arith.select %gt3A_928, %broadcast_in_dim3A_921, %select_n3A_917 : vector<16xi1>, vector<16xi32>
      %select_n3A_932 = arith.select %gt3A_927, %select_n3A_919, %select_n3A_931 : vector<16xi1>, vector<16xi32>
      %select_n3A_933 = arith.select %gt3A_927, %get3A_926, %select_n3A_918 : vector<16xi1>, vector<16xf32>
      %select_n3A_934 = arith.select %gt3A_927, %broadcast_in_dim3A_921, %select_n3A_919 : vector<16xi1>, vector<16xi32>
      %broadcast_in_dim3A_935 = arith.constant 62 : i32
      %broadcast_in_dim3A_936 = vector.broadcast %broadcast_in_dim3A_935 : i32 to vector<16xi32>
      %get3A_937 = arith.constant 62 : i32
      %get3A_938 = arith.index_cast %get3A_937 : i32 to index
      %get3A_939 = arith.index_cast %mul3A_4 : i32 to index
      %get3A_940 = tpu.vector_load %arg5[%get3A_938, %get3A_939] {strides = array<i32>} : memref<64x256xf32, #tpu.memory_space<vmem>>, vector<1x16xf32>,
      %get3A_941 = vector.shape_cast %get3A_940 : vector<1x16xf32> to vector<16xf32>
      %gt3A_942 = arith.cmpf ogt, %get3A_941, %select_n3A_933 : vector<16xf32>
      %gt3A_943 = arith.cmpf ogt, %get3A_941, %select_n3A_930 : vector<16xf32>
      %select_n3A_944 = arith.select %gt3A_943, %get3A_941, %select_n3A_930 : vector<16xi1>, vector<16xf32>
      %select_n3A_945 = arith.select %gt3A_942, %select_n3A_933, %select_n3A_944 : vector<16xi1>, vector<16xf32>
      %select_n3A_946 = arith.select %gt3A_943, %broadcast_in_dim3A_936, %select_n3A_932 : vector<16xi1>, vector<16xi32>
      %select_n3A_947 = arith.select %gt3A_942, %select_n3A_934, %select_n3A_946 : vector<16xi1>, vector<16xi32>
      %select_n3A_948 = arith.select %gt3A_942, %get3A_941, %select_n3A_933 : vector<16xi1>, vector<16xf32>
      %select_n3A_949 = arith.select %gt3A_942, %broadcast_in_dim3A_936, %select_n3A_934 : vector<16xi1>, vector<16xi32>
      %broadcast_in_dim3A_950 = arith.constant 63 : i32
      %broadcast_in_dim3A_951 = vector.broadcast %broadcast_in_dim3A_950 : i32 to vector<16xi32>
      %get3A_952 = arith.constant 63 : i32
      %get3A_953 = arith.index_cast %get3A_952 : i32 to index
      %get3A_954 = arith.index_cast %mul3A_4 : i32 to index
      %get3A_955 = tpu.vector_load %arg5[%get3A_953, %get3A_954] {strides = array<i32>} : memref<64x256xf32, #tpu.memory_space<vmem>>, vector<1x16xf32>,
      %get3A_956 = vector.shape_cast %get3A_955 : vector<1x16xf32> to vector<16xf32>
      %gt3A_957 = arith.cmpf ogt, %get3A_956, %select_n3A_948 : vector<16xf32>
      %gt3A_958 = arith.cmpf ogt, %get3A_956, %select_n3A_945 : vector<16xf32>
      %select_n3A_959 = arith.select %gt3A_958, %get3A_956, %select_n3A_945 : vector<16xi1>, vector<16xf32>
      %select_n3A_960 = arith.select %gt3A_957, %select_n3A_948, %select_n3A_959 : vector<16xi1>, vector<16xf32>
      %select_n3A_961 = arith.select %gt3A_958, %broadcast_in_dim3A_951, %select_n3A_947 : vector<16xi1>, vector<16xi32>
      %select_n3A_962 = arith.select %gt3A_957, %select_n3A_949, %select_n3A_961 : vector<16xi1>, vector<16xi32>
      %select_n3A_963 = arith.select %gt3A_957, %get3A_956, %select_n3A_948 : vector<16xi1>, vector<16xf32>
      %select_n3A_964 = arith.select %gt3A_957, %broadcast_in_dim3A_951, %select_n3A_949 : vector<16xi1>, vector<16xi32>
      %mul3A_965 = arith.constant 64 : i32
      %mul3A_966 = vector.broadcast %mul3A_965 : i32 to vector<16xi32>
      %mul3A_967 = arith.muli %select_n3A_964, %mul3A_966 : vector<16xi32>
      %add3A_968 = arith.addi %mul3A_967, %select_n3A_962 : vector<16xi32>
      %swap3A = arith.constant 0 : index
      %swap3A_969 = tpu.vector_load %arg6[%swap3A] {strides = array<i32>} : memref<16xi32, #tpu.memory_space<vmem>>, vector<16xi32>,
      %swap3A_970 = vector.shape_cast %swap3A_969 : vector<16xi32> to vector<16xi32>
      %swap3A_971 = vector.shape_cast %add3A_968 : vector<16xi32> to vector<16xi32>
      tpu.vector_store %arg6[%swap3A], %swap3A_971 {strides = array<i32>} : memref<16xi32, #tpu.memory_space<vmem>>, vector<16xi32>,
      %sub3A = arith.subf %select_n3A_960, %select_n3A_963 : vector<16xf32>
      %exp3A = math.exp %sub3A : vector<16xf32>
      %add3A_972 = arith.constant 1.000000e+00 : f32
      %add3A_973 = vector.broadcast %add3A_972 : f32 to vector<16xf32>
      %add3A_974 = arith.addf %add3A_973, %exp3A : vector<16xf32>
      %div3A = arith.constant 1.000000e+00 : f32
      %div3A_975 = vector.broadcast %div3A : f32 to vector<16xf32>
      %div3A_976 = arith.divf %div3A_975, %add3A_974 : vector<16xf32>
      %swap3A_977 = arith.constant 0 : index
      %swap3A_978 = tpu.vector_load %arg7[%swap3A_977] {strides = array<i32>} : memref<16xf32, #tpu.memory_space<vmem>>, vector<16xf32>,
      %swap3A_979 = vector.shape_cast %swap3A_978 : vector<16xf32> to vector<16xf32>
      %swap3A_980 = vector.shape_cast %div3A_976 : vector<16xf32> to vector<16xf32>
      tpu.vector_store %arg7[%swap3A_977], %swap3A_980 {strides = array<i32>} : memref<16xf32, #tpu.memory_space<vmem>>, vector<16xf32>,
      "tpu.region"() ({
        %run_scoped3A = tpu.sem_alloc : memref<!tpu.dma_semaphore, #tpu.memory_space<semaphore_mem>>
        %dma_start3A = tpu.memref_slice %arg3[%mul3A_4] : memref<256xi32, #tpu.memory_space<hbm>> -> memref<16xi32, #tpu.memory_space<hbm>>
        %dma_start3A_981 = tpu.memref_slice %arg3[%mul3A_4] : memref<256xi32, #tpu.memory_space<hbm>> -> memref<16xi32, #tpu.memory_space<hbm>>
        tpu.enqueue_dma source(%arg6 : memref<16xi32, #tpu.memory_space<vmem>>) target(%dma_start3A_981 : memref<16xi32, #tpu.memory_space<hbm>>) target_semaphore(%run_scoped3A : memref<!tpu.dma_semaphore, #tpu.memory_space<semaphore_mem>>)
        %dma_wait3A = tpu.memref_slice %arg3[%mul3A_4] : memref<256xi32, #tpu.memory_space<hbm>> -> memref<16xi32, #tpu.memory_space<hbm>>
        %dma_wait3A_982 = tpu.memref_slice %arg3[%mul3A_4] : memref<256xi32, #tpu.memory_space<hbm>> -> memref<16xi32, #tpu.memory_space<hbm>>
        tpu.wait_dma2 semaphore(%run_scoped3A : memref<!tpu.dma_semaphore, #tpu.memory_space<semaphore_mem>>) src(%arg6 : memref<16xi32, #tpu.memory_space<vmem>>) dst(%dma_wait3A_982 : memref<16xi32, #tpu.memory_space<hbm>>)
        tpu.yield
      }) : () -> ()
      "tpu.region"() ({
        %run_scoped3A = tpu.sem_alloc : memref<!tpu.dma_semaphore, #tpu.memory_space<semaphore_mem>>
        %dma_start3A = tpu.memref_slice %arg4[%mul3A_4] : memref<256xf32, #tpu.memory_space<hbm>> -> memref<16xf32, #tpu.memory_space<hbm>>
        %dma_start3A_981 = tpu.memref_slice %arg4[%mul3A_4] : memref<256xf32, #tpu.memory_space<hbm>> -> memref<16xf32, #tpu.memory_space<hbm>>
        tpu.enqueue_dma source(%arg7 : memref<16xf32, #tpu.memory_space<vmem>>) target(%dma_start3A_981 : memref<16xf32, #tpu.memory_space<hbm>>) target_semaphore(%run_scoped3A : memref<!tpu.dma_semaphore, #tpu.memory_space<semaphore_mem>>)
        %dma_wait3A = tpu.memref_slice %arg4[%mul3A_4] : memref<256xf32, #tpu.memory_space<hbm>> -> memref<16xf32, #tpu.memory_space<hbm>>
        %dma_wait3A_982 = tpu.memref_slice %arg4[%mul3A_4] : memref<256xf32, #tpu.memory_space<hbm>> -> memref<16xf32, #tpu.memory_space<hbm>>
        tpu.wait_dma2 semaphore(%run_scoped3A : memref<!tpu.dma_semaphore, #tpu.memory_space<semaphore_mem>>) src(%arg7 : memref<16xf32, #tpu.memory_space<vmem>>) dst(%dma_wait3A_982 : memref<16xf32, #tpu.memory_space<hbm>>)
        tpu.yield
      }) : () -> ()
    } else {
    }
    return
  }
}

module attributes {stable_mosaic.version = 14 : i64} {
  func.func @_logits_body(%arg0: memref<256x1024xf32, #tpu.memory_space<vmem>>, %arg1: memref<64x1024xf32, #tpu.memory_space<vmem>>, %arg2: memref<64x256xf32, #tpu.memory_space<vmem>>) attributes {dimension_semantics = [], scalar_prefetch = 0 : i64, scratch_operands = 0 : i64, tpu.core_type = #tpu.core_type<tc>} {
    %get3A = arith.constant 0 : index
    %get3A_0 = arith.constant 0 : index
    %get3A_1 = vector.load %arg0[%get3A, %get3A_0] : memref<256x1024xf32, #tpu.memory_space<vmem>>, vector<256x1024xf32>
    %get3A_2 = arith.constant 0 : index
    %get3A_3 = arith.constant 0 : index
    %get3A_4 = vector.load %arg1[%get3A_2, %get3A_3] : memref<64x1024xf32, #tpu.memory_space<vmem>>, vector<64x1024xf32>
    %dot_general3A = arith.constant dense<0.000000e+00> : vector<256x64xf32>
    %dot_general3A_5 = tpu.matmul %get3A_1, %get3A_4, %dot_general3A {dimension_numbers = #tpu.dot_dimension_numbers<[1], [1], [0], [0], [0, 0, 1, 0], [], []>, transpose_lhs_hint = false} : vector<256x1024xf32>, vector<64x1024xf32>, vector<256x64xf32> -> vector<256x64xf32>
    %transpose3A = tpu.transpose %dot_general3A_5, [1, 0] : vector<256x64xf32> -> vector<64x256xf32>
    %swap3A = arith.constant 0 : index
    %swap3A_6 = arith.constant 0 : index
    %swap3A_7 = vector.load %arg2[%swap3A, %swap3A_6] : memref<64x256xf32, #tpu.memory_space<vmem>>, vector<64x256xf32>
    tpu.vector_store %arg2[%swap3A, %swap3A_6], %transpose3A {strides = array<i32>} : memref<64x256xf32, #tpu.memory_space<vmem>>, vector<64x256xf32>,
    return
  }
}

module attributes {stable_mosaic.version = 14 : i64} {
  func.func @_moe_body(%arg0: i32, %arg1: memref<256x1xi32, #tpu.memory_space<vmem>>, %arg2: memref<256x1xf32, #tpu.memory_space<vmem>>, %arg3: memref<256x1024xf32, #tpu.memory_space<vmem>>, %arg4: memref<2x1024x1024xf32, #tpu.memory_space<vmem>>, %arg5: memref<2x512x1024xf32, #tpu.memory_space<vmem>>, %arg6: memref<256x1024xf32, #tpu.memory_space<vmem>>) attributes {dimension_semantics = [#tpu.dimension_semantics<arbitrary>], iteration_bounds = array<i64: 32>, scalar_prefetch = 0 : i64, scratch_operands = 0 : i64, tpu.core_type = #tpu.core_type<tc>, window_params = [{pipeline_mode = #tpu.pipeline_mode<synchronous>, transform_indices = @transform_0, window_bounds = array<i64: 256, 1>}, {pipeline_mode = #tpu.pipeline_mode<synchronous>, transform_indices = @transform_1, window_bounds = array<i64: 256, 1>}, {pipeline_mode = #tpu.pipeline_mode<synchronous>, transform_indices = @transform_2, window_bounds = array<i64: 256, 1024>}, {transform_indices = @transform_3, window_bounds = array<i64: 2, 1024, 1024>}, {transform_indices = @transform_4, window_bounds = array<i64: 2, 512, 1024>}, {pipeline_mode = #tpu.pipeline_mode<synchronous>, transform_indices = @transform_5, window_bounds = array<i64: 256, 1024>}]} {
    %eq3A = arith.constant 0 : i32
    %eq3A_0 = arith.cmpi eq, %arg0, %eq3A : i32
    %convert_element_type3A = arith.extui %eq3A_0 : i1 to i32
    %cond3A = arith.constant 0 : i32
    %cond3A_1 = arith.cmpi ne, %convert_element_type3A, %cond3A : i32
    scf.if %cond3A_1 {
      %broadcast_in_dim3A_136 = arith.constant 0.000000e+00 : f32
      %broadcast_in_dim3A_137 = vector.broadcast %broadcast_in_dim3A_136 : f32 to vector<256x1024xf32>
      %swap3A_138 = arith.constant 0 : index
      %swap3A_139 = arith.constant 0 : index
      %swap3A_140 = vector.load %arg6[%swap3A_138, %swap3A_139] : memref<256x1024xf32, #tpu.memory_space<vmem>>, vector<256x1024xf32>
      tpu.vector_store %arg6[%swap3A_138, %swap3A_139], %broadcast_in_dim3A_137 {strides = array<i32>} : memref<256x1024xf32, #tpu.memory_space<vmem>>, vector<256x1024xf32>,
    } else {
    }
    %get3A = arith.constant 0 : index
    %get3A_2 = arith.constant 0 : index
    %get3A_3 = vector.load %arg3[%get3A, %get3A_2] : memref<256x1024xf32, #tpu.memory_space<vmem>>, vector<256x1024xf32>
    %convert_element_type3A_4 = arith.truncf %get3A_3 : vector<256x1024xf32> to vector<256x1024xbf16>
    %get3A_5 = arith.constant 0 : index
    %get3A_6 = arith.constant 0 : index
    %get3A_7 = vector.load %arg1[%get3A_5, %get3A_6] : memref<256x1xi32, #tpu.memory_space<vmem>>, vector<256x1xi32>
    %get3A_8 = arith.constant 0 : index
    %get3A_9 = arith.constant 0 : index
    %get3A_10 = vector.load %arg2[%get3A_8, %get3A_9] : memref<256x1xf32, #tpu.memory_space<vmem>>, vector<256x1xf32>
    %jit3A = arith.constant 64 : i32
    %div3A = vector.broadcast %jit3A : i32 to vector<256x1xi32>
    %div3A_11 = arith.divsi %get3A_7, %div3A : vector<256x1xi32>
    %sign3A = arith.constant 0 : i32
    %sign3A_12 = vector.broadcast %sign3A : i32 to vector<256x1xi32>
    %sign3A_13 = arith.cmpi sgt, %get3A_7, %sign3A_12 : vector<256x1xi32>
    %sign3A_14 = arith.extui %sign3A_13 : vector<256x1xi1> to vector<256x1xi32>
    %sign3A_15 = arith.constant 0 : i32
    %sign3A_16 = vector.broadcast %sign3A_15 : i32 to vector<256x1xi32>
    %sign3A_17 = arith.cmpi slt, %get3A_7, %sign3A_16 : vector<256x1xi32>
    %sign3A_18 = arith.extui %sign3A_17 : vector<256x1xi1> to vector<256x1xi32>
    %sign3A_19 = arith.subi %sign3A_14, %sign3A_18 : vector<256x1xi32>
    %sign3A_20 = arith.constant 0 : i32
    %sign3A_21 = arith.cmpi sgt, %jit3A, %sign3A_20 : i32
    %sign3A_22 = arith.extui %sign3A_21 : i1 to i32
    %sign3A_23 = arith.constant 0 : i32
    %sign3A_24 = arith.cmpi slt, %jit3A, %sign3A_23 : i32
    %sign3A_25 = arith.extui %sign3A_24 : i1 to i32
    %sign3A_26 = arith.subi %sign3A_22, %sign3A_25 : i32
    %ne3A = vector.broadcast %sign3A_26 : i32 to vector<256x1xi32>
    %ne3A_27 = arith.cmpi ne, %sign3A_19, %ne3A : vector<256x1xi32>
    %rem3A = vector.broadcast %jit3A : i32 to vector<256x1xi32>
    %rem3A_28 = arith.remsi %get3A_7, %rem3A : vector<256x1xi32>
    %ne3A_29 = arith.constant 0 : i32
    %ne3A_30 = vector.broadcast %ne3A_29 : i32 to vector<256x1xi32>
    %ne3A_31 = arith.cmpi ne, %rem3A_28, %ne3A_30 : vector<256x1xi32>
    %and3A = arith.andi %ne3A_27, %ne3A_31 : vector<256x1xi1>
    %sub3A = arith.constant 1 : i32
    %sub3A_32 = vector.broadcast %sub3A : i32 to vector<256x1xi32>
    %sub3A_33 = arith.subi %div3A_11, %sub3A_32 : vector<256x1xi32>
    %select_n3A = arith.select %and3A, %sub3A_33, %div3A_11 : vector<256x1xi1>, vector<256x1xi32>
    %mul3A = arith.constant 64 : i32
    %mul3A_34 = vector.broadcast %mul3A : i32 to vector<256x1xi32>
    %mul3A_35 = arith.muli %select_n3A, %mul3A_34 : vector<256x1xi32>
    %sub3A_36 = arith.subi %get3A_7, %mul3A_35 : vector<256x1xi32>
    %broadcast_in_dim3A = arith.constant 0.000000e+00 : f32
    %broadcast_in_dim3A_37 = vector.broadcast %broadcast_in_dim3A : f32 to vector<256x1024xf32>
    %mul3A_38 = arith.constant 2 : i32
    %mul3A_39 = arith.muli %arg0, %mul3A_38 : i32
    %add3A = arith.constant 0 : i32
    %add3A_40 = arith.addi %mul3A_39, %add3A : i32
    %get3A_41 = arith.constant 0 : index
    %get3A_42 = arith.constant 0 : index
    %get3A_43 = arith.constant 0 : index
    %get3A_44 = vector.load %arg4[%get3A_41, %get3A_42, %get3A_43] : memref<2x1024x1024xf32, #tpu.memory_space<vmem>>, vector<1x1024x1024xf32>
    %get3A_45 = vector.shape_cast %get3A_44 : vector<1x1024x1024xf32> to vector<1024x1024xf32>
    %convert_element_type3A_46 = arith.truncf %get3A_45 : vector<1024x1024xf32> to vector<1024x1024xbf16>
    %dot_general3A = arith.constant dense<0.000000e+00> : vector<256x1024xf32>
    %dot_general3A_47 = tpu.matmul %convert_element_type3A_4, %convert_element_type3A_46, %dot_general3A {dimension_numbers = #tpu.dot_dimension_numbers<[1], [0], [0], [1], [0, 0, 1, 1], [], []>, transpose_lhs_hint = false} : vector<256x1024xbf16>, vector<1024x1024xbf16>, vector<256x1024xf32> -> vector<256x1024xf32>
    %slice3A = vector.extract_strided_slice %dot_general3A_47 {offsets = [0, 0], sizes = [256, 512], strides = [1, 1]} : vector<256x1024xf32> to vector<256x512xf32>
    %slice3A_48 = vector.extract_strided_slice %dot_general3A_47 {offsets = [0, 512], sizes = [256, 512], strides = [1, 1]} : vector<256x1024xf32> to vector<256x512xf32>
    %logistic3A = arith.negf %slice3A : vector<256x512xf32>
    %logistic3A_49 = math.exp %logistic3A : vector<256x512xf32>
    %logistic3A_50 = arith.constant 1.000000e+00 : f32
    %logistic3A_51 = vector.broadcast %logistic3A_50 : f32 to vector<256x512xf32>
    %logistic3A_52 = arith.addf %logistic3A_51, %logistic3A_49 : vector<256x512xf32>
    %logistic3A_53 = arith.divf %logistic3A_51, %logistic3A_52 : vector<256x512xf32>
    %mul3A_54 = arith.mulf %slice3A, %logistic3A_53 : vector<256x512xf32>
    %mul3A_55 = arith.mulf %mul3A_54, %slice3A_48 : vector<256x512xf32>
    %convert_element_type3A_56 = arith.truncf %mul3A_55 : vector<256x512xf32> to vector<256x512xbf16>
    %get3A_57 = arith.constant 0 : index
    %get3A_58 = arith.constant 0 : index
    %get3A_59 = arith.constant 0 : index
    %get3A_60 = vector.load %arg5[%get3A_57, %get3A_58, %get3A_59] : memref<2x512x1024xf32, #tpu.memory_space<vmem>>, vector<1x512x1024xf32>
    %get3A_61 = vector.shape_cast %get3A_60 : vector<1x512x1024xf32> to vector<512x1024xf32>
    %convert_element_type3A_62 = arith.truncf %get3A_61 : vector<512x1024xf32> to vector<512x1024xbf16>
    %dot_general3A_63 = arith.constant dense<0.000000e+00> : vector<256x1024xf32>
    %dot_general3A_64 = tpu.matmul %convert_element_type3A_56, %convert_element_type3A_62, %dot_general3A_63 {dimension_numbers = #tpu.dot_dimension_numbers<[1], [0], [0], [1], [0, 0, 1, 1], [], []>, transpose_lhs_hint = false} : vector<256x512xbf16>, vector<512x1024xbf16>, vector<256x1024xf32> -> vector<256x1024xf32>
    %eq3A_65 = vector.broadcast %add3A_40 : i32 to vector<256x1xi32>
    %eq3A_66 = arith.cmpi eq, %select_n3A, %eq3A_65 : vector<256x1xi32>
    %jit3A_67 = arith.constant 0.000000e+00 : f32
    %broadcast_in_dim3A_68 = vector.broadcast %jit3A_67 : f32 to vector<256x1xf32>
    %select_n3A_69 = arith.select %eq3A_66, %get3A_10, %broadcast_in_dim3A_68 : vector<256x1xi1>, vector<256x1xf32>
    %eq3A_70 = vector.broadcast %add3A_40 : i32 to vector<256x1xi32>
    %eq3A_71 = arith.cmpi eq, %sub3A_36, %eq3A_70 : vector<256x1xi32>
    %sub3A_72 = arith.constant 1.000000e+00 : f32
    %sub3A_73 = vector.broadcast %sub3A_72 : f32 to vector<256x1xf32>
    %sub3A_74 = arith.subf %sub3A_73, %get3A_10 : vector<256x1xf32>
    %jit3A_75 = arith.constant 0.000000e+00 : f32
    %broadcast_in_dim3A_76 = vector.broadcast %jit3A_75 : f32 to vector<256x1xf32>
    %select_n3A_77 = arith.select %eq3A_71, %sub3A_74, %broadcast_in_dim3A_76 : vector<256x1xi1>, vector<256x1xf32>
    %add3A_78 = arith.addf %select_n3A_69, %select_n3A_77 : vector<256x1xf32>
    %mul3A_79 = vector.broadcast %add3A_78 : vector<256x1xf32> to vector<256x1024xf32>
    %mul3A_80 = arith.mulf %mul3A_79, %dot_general3A_64 : vector<256x1024xf32>
    %add3A_81 = arith.addf %broadcast_in_dim3A_37, %mul3A_80 : vector<256x1024xf32>
    %mul3A_82 = arith.constant 2 : i32
    %mul3A_83 = arith.muli %arg0, %mul3A_82 : i32
    %add3A_84 = arith.constant 1 : i32
    %add3A_85 = arith.addi %mul3A_83, %add3A_84 : i32
    %get3A_86 = arith.constant 1 : index
    %get3A_87 = arith.constant 0 : index
    %get3A_88 = arith.constant 0 : index
    %get3A_89 = vector.load %arg4[%get3A_86, %get3A_87, %get3A_88] : memref<2x1024x1024xf32, #tpu.memory_space<vmem>>, vector<1x1024x1024xf32>
    %get3A_90 = vector.shape_cast %get3A_89 : vector<1x1024x1024xf32> to vector<1024x1024xf32>
    %convert_element_type3A_91 = arith.truncf %get3A_90 : vector<1024x1024xf32> to vector<1024x1024xbf16>
    %dot_general3A_92 = arith.constant dense<0.000000e+00> : vector<256x1024xf32>
    %dot_general3A_93 = tpu.matmul %convert_element_type3A_4, %convert_element_type3A_91, %dot_general3A_92 {dimension_numbers = #tpu.dot_dimension_numbers<[1], [0], [0], [1], [0, 0, 1, 1], [], []>, transpose_lhs_hint = false} : vector<256x1024xbf16>, vector<1024x1024xbf16>, vector<256x1024xf32> -> vector<256x1024xf32>
    %slice3A_94 = vector.extract_strided_slice %dot_general3A_93 {offsets = [0, 0], sizes = [256, 512], strides = [1, 1]} : vector<256x1024xf32> to vector<256x512xf32>
    %slice3A_95 = vector.extract_strided_slice %dot_general3A_93 {offsets = [0, 512], sizes = [256, 512], strides = [1, 1]} : vector<256x1024xf32> to vector<256x512xf32>
    %logistic3A_96 = arith.negf %slice3A_94 : vector<256x512xf32>
    %logistic3A_97 = math.exp %logistic3A_96 : vector<256x512xf32>
    %logistic3A_98 = arith.constant 1.000000e+00 : f32
    %logistic3A_99 = vector.broadcast %logistic3A_98 : f32 to vector<256x512xf32>
    %logistic3A_100 = arith.addf %logistic3A_99, %logistic3A_97 : vector<256x512xf32>
    %logistic3A_101 = arith.divf %logistic3A_99, %logistic3A_100 : vector<256x512xf32>
    %mul3A_102 = arith.mulf %slice3A_94, %logistic3A_101 : vector<256x512xf32>
    %mul3A_103 = arith.mulf %mul3A_102, %slice3A_95 : vector<256x512xf32>
    %convert_element_type3A_104 = arith.truncf %mul3A_103 : vector<256x512xf32> to vector<256x512xbf16>
    %get3A_105 = arith.constant 1 : index
    %get3A_106 = arith.constant 0 : index
    %get3A_107 = arith.constant 0 : index
    %get3A_108 = vector.load %arg5[%get3A_105, %get3A_106, %get3A_107] : memref<2x512x1024xf32, #tpu.memory_space<vmem>>, vector<1x512x1024xf32>
    %get3A_109 = vector.shape_cast %get3A_108 : vector<1x512x1024xf32> to vector<512x1024xf32>
    %convert_element_type3A_110 = arith.truncf %get3A_109 : vector<512x1024xf32> to vector<512x1024xbf16>
    %dot_general3A_111 = arith.constant dense<0.000000e+00> : vector<256x1024xf32>
    %dot_general3A_112 = tpu.matmul %convert_element_type3A_104, %convert_element_type3A_110, %dot_general3A_111 {dimension_numbers = #tpu.dot_dimension_numbers<[1], [0], [0], [1], [0, 0, 1, 1], [], []>, transpose_lhs_hint = false} : vector<256x512xbf16>, vector<512x1024xbf16>, vector<256x1024xf32> -> vector<256x1024xf32>
    %eq3A_113 = vector.broadcast %add3A_85 : i32 to vector<256x1xi32>
    %eq3A_114 = arith.cmpi eq, %select_n3A, %eq3A_113 : vector<256x1xi32>
    %jit3A_115 = arith.constant 0.000000e+00 : f32
    %broadcast_in_dim3A_116 = vector.broadcast %jit3A_115 : f32 to vector<256x1xf32>
    %select_n3A_117 = arith.select %eq3A_114, %get3A_10, %broadcast_in_dim3A_116 : vector<256x1xi1>, vector<256x1xf32>
    %eq3A_118 = vector.broadcast %add3A_85 : i32 to vector<256x1xi32>
    %eq3A_119 = arith.cmpi eq, %sub3A_36, %eq3A_118 : vector<256x1xi32>
    %sub3A_120 = arith.constant 1.000000e+00 : f32
    %sub3A_121 = vector.broadcast %sub3A_120 : f32 to vector<256x1xf32>
    %sub3A_122 = arith.subf %sub3A_121, %get3A_10 : vector<256x1xf32>
    %jit3A_123 = arith.constant 0.000000e+00 : f32
    %broadcast_in_dim3A_124 = vector.broadcast %jit3A_123 : f32 to vector<256x1xf32>
    %select_n3A_125 = arith.select %eq3A_119, %sub3A_122, %broadcast_in_dim3A_124 : vector<256x1xi1>, vector<256x1xf32>
    %add3A_126 = arith.addf %select_n3A_117, %select_n3A_125 : vector<256x1xf32>
    %mul3A_127 = vector.broadcast %add3A_126 : vector<256x1xf32> to vector<256x1024xf32>
    %mul3A_128 = arith.mulf %mul3A_127, %dot_general3A_112 : vector<256x1024xf32>
    %add3A_129 = arith.addf %add3A_81, %mul3A_128 : vector<256x1024xf32>
    %get3A_130 = arith.constant 0 : index
    %get3A_131 = arith.constant 0 : index
    %get3A_132 = vector.load %arg6[%get3A_130, %get3A_131] : memref<256x1024xf32, #tpu.memory_space<vmem>>, vector<256x1024xf32>
    %add3A_133 = arith.addf %get3A_132, %add3A_129 : vector<256x1024xf32>
    %swap3A = arith.constant 0 : index
    %swap3A_134 = arith.constant 0 : index
    %swap3A_135 = vector.load %arg6[%swap3A, %swap3A_134] : memref<256x1024xf32, #tpu.memory_space<vmem>>, vector<256x1024xf32>
    tpu.vector_store %arg6[%swap3A, %swap3A_134], %add3A_133 {strides = array<i32>} : memref<256x1024xf32, #tpu.memory_space<vmem>>, vector<256x1024xf32>,
    return
  }
  func.func @transform_0(%arg0: i32) -> (i32, i32) {
    %c0_i32 = arith.constant 0 : i32
    %c0_i32_0 = arith.constant 0 : i32
    %c0_i32_1 = arith.constant 0 : i32
    return %c0_i32, %c0_i32_0 : i32, i32
  }
  func.func @transform_1(%arg0: i32) -> (i32, i32) {
    %c0_i32 = arith.constant 0 : i32
    %c0_i32_0 = arith.constant 0 : i32
    %c0_i32_1 = arith.constant 0 : i32
    return %c0_i32, %c0_i32_0 : i32, i32
  }
  func.func @transform_2(%arg0: i32) -> (i32, i32) {
    %c0_i32 = arith.constant 0 : i32
    %c0_i32_0 = arith.constant 0 : i32
    %c0_i32_1 = arith.constant 0 : i32
    return %c0_i32, %c0_i32_0 : i32, i32
  }
  func.func @transform_3(%arg0: i32) -> (i32, i32, i32) {
    %c0_i32 = arith.constant 0 : i32
    %c0_i32_0 = arith.constant 0 : i32
    %c0_i32_1 = arith.constant 0 : i32
    return %arg0, %c0_i32, %c0_i32_0 : i32, i32, i32
  }
  func.func @transform_4(%arg0: i32) -> (i32, i32, i32) {
    %c0_i32 = arith.constant 0 : i32
    %c0_i32_0 = arith.constant 0 : i32
    %c0_i32_1 = arith.constant 0 : i32
    return %arg0, %c0_i32, %c0_i32_0 : i32, i32, i32
  }
  func.func @transform_5(%arg0: i32) -> (i32, i32) {
    %c0_i32 = arith.constant 0 : i32
    %c0_i32_0 = arith.constant 0 : i32
    %c0_i32_1 = arith.constant 0 : i32
    return %c0_i32, %c0_i32_0 : i32, i32
  }
}

</mosaic_0001>

<sc_bundles>
// kernel: kernel.5.cloned.1.call-start
scs
__scs_entry_jumppad:
0x0: {  	(pc) =	sbr.rel $0x88, $3  }
0x1: {  	(tag) =	ssettag $0x0;
	lr =	simm.s32 $0x1  }
0x2: {  	[smem:$0x3F9D] =	sst lr;
	_ =	strace $0xD0000000  }
0x3: {  	_ = 	snop  }
0x4: {  	_ = 	snop  }
0x5: {  	_ = 	snop  }
0x6: {  	_ = 	snop  }
0x7: {  	_ = 	snop  }
__scs_overlays_trampoline_lowered:
0x8: {  	[smem:$0x3FAC] =	sst s0  }
0x9: {  	[smem:$0x3FAD] =	sst s1  }
0xa: {  	[smem:$0x3FAE] =	sst s2  }
0xb: {  	[smem:$0x3FAF] =	sst s3  }
0xc: {  	[smem:$0x3FB0] =	sst s4  }
0xd: {  	[smem:$0x3FB1] =	sst s5  }
0xe: {  	[smem:$0x3FB2] =	sst s6  }
0xf: {  	[smem:$0x3FB3] =	sst s7  }
0x10: {  	[smem:$0x3FB4] =	sst s8  }
0x11: {  	[smem:$0x3FB5] =	sst s9;
	s0 =	simm.s32 @!p0 $0x0  }
0x12: {  	s1 =	sld [smem:$0x3F9B];
	s0 =	simm.s32 @p0 $0x1  }
0x13: {  	[smem:$0x3FB6] =	sst s0;
	s0 =	simm.s32 @!p1 $0x0  }
0x14: {  	s2 =	sld [smem:$0x3F9A];
	s0 =	simm.s32 @p1 $0x1  }
0x15: {  	[smem:$0x3FB7] =	sst s0;
	s0 =	simm.s32 @!p2 $0x0  }
0x16: {  	s3 =	sld [smem:$0x3FDB];
	s0 =	simm.s32 @p2 $0x1  }
0x17: {  	s4 =	simm.s32 $0x1BF5;
	[smem:$0x3FB9] =	sst s0  }
0x18: {  	s0 =	sld [smem:$0x3F9C];
	_ =	swait.ge [sflag:s4], $0x0  }
0x19: {  	s7 =	sld [smem:$0x3F9D]  }
0x1a: {  	s8 =	sadd.s32 $0xFFFFE003, lr  }
0x1b: {  	s9 =	sadd.s32 $0xFFFFFEF7, lr;
	s5 =	simm.s32 $0xFFFFFFFF;
	p2 =	slt.u32 s8, $0xFFFFF086  }
0x1c: {  	p1 =	slt.u32 s9, $0xF7A;
	s5 =	simm.s32 @!p2 $0x0  }
0x1d: {  	s5 =	simm.s32 @p1 $0x1;
	p0 =	seq.s32 s7, s2  }
0x1e: {  	s7 =	smul.u32 @!p0 $0xF7A, s2;
	p2 =	seq.s32 @!p0 s5, $0x0  }
0x1f: {  	s9 =	smul.u32 $0xF7A, s1;
	s8 =	simm.s32 @!p0 $0x1BF5;
	p2 =	por !p2, p0  }
0x20: {  	[sflag:s8] =	ssyncset.s32 @!p0 $0xFFFFF086;
	s6 =	sadd.s32 @!p0 s3, s7;
	s7 =	simm.s32 @!p0 $0x108  }
0x21: {  	s3 =	sadd.s32 s3, s9;
	s6 =	sadd.s32 @!p0 $0x88, s6;
	s7 =	simm.s32 @p2 $0x1082  }
0x22: {  	[simem:s7], [sflag:s8] =	dma.local @!p0 [hbm:s6], $0xF7A  }
0x23: {  	s9 =	sor.u32 $0xD0000000, s2;
	s6 =	simm.s32 $0x108;
	_ =	swait.ge @!p0 [sflag:s8], $0x0  }
0x24: {  	s3 =	sadd.s32 $0x88, s3;
	s6 =	simm.s32 @!p1 $0x1082;
	[sflag:s4] =	ssyncset.s32 $0xFFFFF086  }
0x25: {  	[simem:s6], [sflag:s4] =	dma.local [hbm:s3], $0xF7A  }
0x26: {  	[smem:$0x3F9D] =	sst s1;
	(tag) =	ssettag s2;
	_ =	strace s9  }
0x27: {  	s1 =	sld [smem:$0x3FAD]  }
0x28: {  	s2 =	sld [smem:$0x3FAE]  }
0x29: {  	s4 =	sld [smem:$0x3FB0]  }
0x2a: {  	p0 =	seq.s32 s5, $0x0;
	s5 =	sld [smem:$0x3FB1]  }
0x2b: {  	s6 =	sld [smem:$0x3FB2]  }
0x2c: {  	s7 =	sld [smem:$0x3FB3]  }
0x2d: {  	s3 =	simm.s32 $0x108;
	s8 =	sld [smem:$0x3FB4]  }
0x2e: {  	s3 =	simm.s32 @!p0 $0x1082;
	s9 =	sld [smem:$0x3FB5]  }
0x2f: {  	lr =	sadd.s32 s0, s3;
	s0 =	sld [smem:$0x3FAC]  }
0x30: {  	s3 =	sld [smem:$0x3FAF]  }
0x31: {  	[smem:$0x3FB8] =	sst s10  }
0x32: {  	s10 =	sld [smem:$0x3FB6];
	_ =	sdelay $0x3  }
0x33: {  	p0 =	seq.s32 s10, $0x1;
	s10 =	sld [smem:$0x3FB8];
	_ =	sdelay $0x3  }
0x34: {  	[smem:$0x3FB8] =	sst s10  }
0x35: {  	s10 =	sld [smem:$0x3FB7];
	_ =	sdelay $0x3  }
0x36: {  	p1 =	seq.s32 s10, $0x1;
	s10 =	sld [smem:$0x3FB8];
	_ =	sdelay $0x3  }
0x37: {  	[smem:$0x3FB8] =	sst s10  }
0x38: {  	s10 =	sld [smem:$0x3FB9]  }
0x39: {  	_ = 	snop;
	(pc) =	sbr.ind lr, $3  }
0x3a: {  	_ = 	snop  }
0x3b: {  	_ = 	snop  }
0x3c: {  	p2 =	seq.s32 s10, $0x1;
	s10 =	sld [smem:$0x3FB8]  }
0x3d: {  	_ =	shalt  }
0x3e: {  	_ =	shalt  }
0x3f: {  	_ =	shalt  }
0x40: {  	_ =	shalt  }
0x41: {  	_ =	shalt  }
0x42: {  	_ =	shalt  }
0x43: {  	_ =	shalt  }
0x44: {  	_ =	shalt  }
0x45: {  	_ =	shalt  }
0x46: {  	_ =	shalt  }
0x47: {  	_ =	shalt  }
0x48: {  	_ =	shalt  }
0x49: {  	_ =	shalt  }
0x4a: {  	_ =	shalt  }
0x4b: {  	_ =	shalt  }
0x4c: {  	_ =	shalt  }
0x4d: {  	_ =	shalt  }
0x4e: {  	_ =	shalt  }
0x4f: {  	_ =	shalt  }
0x50: {  	_ =	shalt  }
0x51: {  	_ =	shalt  }
0x52: {  	_ =	shalt  }
0x53: {  	_ =	shalt  }
0x54: {  	_ =	shalt  }
0x55: {  	_ =	shalt  }
0x56: {  	_ =	shalt  }
0x57: {  	_ =	shalt  }
0x58: {  	_ =	shalt  }
0x59: {  	_ =	shalt  }
0x5a: {  	_ =	shalt  }
0x5b: {  	_ =	shalt  }
0x5c: {  	_ =	shalt  }
0x5d: {  	_ =	shalt  }
0x5e: {  	_ =	shalt  }
0x5f: {  	_ =	shalt  }
0x60: {  	_ =	shalt  }
0x61: {  	_ =	shalt  }
0x62: {  	_ =	shalt  }
0x63: {  	_ =	shalt  }
0x64: {  	_ =	shalt  }
0x65: {  	_ =	shalt  }
0x66: {  	_ =	shalt  }
0x67: {  	_ =	shalt  }
0x68: {  	_ =	shalt  }
0x69: {  	_ =	shalt  }
0x6a: {  	_ =	shalt  }
0x6b: {  	_ =	shalt  }
0x6c: {  	_ =	shalt  }
0x6d: {  	_ =	shalt  }
0x6e: {  	_ =	shalt  }
0x6f: {  	_ =	shalt  }
0x70: {  	_ =	shalt  }
0x71: {  	_ =	shalt  }
0x72: {  	_ =	shalt  }
0x73: {  	_ =	shalt  }
0x74: {  	_ =	shalt  }
0x75: {  	_ =	shalt  }
0x76: {  	_ =	shalt  }
0x77: {  	_ =	shalt  }
0x78: {  	_ =	shalt  }
0x79: {  	_ =	shalt  }
0x7a: {  	_ =	shalt  }
0x7b: {  	_ =	shalt  }
0x7c: {  	_ =	shalt  }
0x7d: {  	_ =	shalt  }
0x7e: {  	_ =	shalt  }
0x7f: {  	_ =	shalt  }
0x80: {  	_ =	shalt  }
0x81: {  	_ =	shalt  }
0x82: {  	_ =	shalt  }
0x83: {  	_ =	shalt  }
0x84: {  	_ =	shalt  }
0x85: {  	_ =	shalt  }
0x86: {  	_ =	shalt  }
0x87: {  	_ =	shalt  }
.Lfunc_end0:
.L_simem_size_0:
called_computation_lowered:
.L_overlay_start_0:
0x88: {  	s2 =	sld [smem:$0x3FD9]  }
0x89: {  	s3 =	sld [smem:$0x3FFE];
	_ =	sdelay $0x1  }
0x8a: {  	s1 =	srdreg.scid  }
0x8b: {  	s0 =	sand.u32 $0x1, s1  }
0x8c: {  	s17 =	sshll.u32 s0, $0xA;
	s2 =	sadd.s32 s3, s2  }
0x8d: {  	s2 =	sadd.s32 s2, s17  }
0x8e: {  	[smem:$0x3FC4] =	sst s2  }
0x8f: {  	_ = 	snop  }
0x90: {  	s2 =	sld [smem:$0x3FD0];
	(tm) =	ssettm $0x1  }
0x91: {  	s18 =	sld [smem:$0x3FFB];
	_ =	sdelay $0x3  }
0x92: {  	_ =	strace s18  }
0x93: {  	s3 =	sld [smem:$0x3FFC];
	_ =	sdelay $0x3  }
0x94: {  	_ =	strace s3  }
0x95: {  	s3 =	sld [smem:$0x3FFD];
	_ =	sdelay $0x3  }
0x96: {  	_ =	strace s3  }
0x97: {  	_ =	strace $0x8FFFFFFF  }
0x98: {  	s19 =	sld [smem:$0x3FDB];
	_ =	sdelay $0x1  }
0x99: {  	s4 =	simm.s32 $_scs_section_size  }
0x9a: {  	s5 =	simm.s32 $_size__tile_overlayer_lowered;
	s6 =	simm.s32 $_tile_overlayer_lowered  }
0x9b: {  	s22 =	simm.s32 $0x1BFF;
	s21 =	sshll.u32 s6, $0x1;
	s3 =	sadd.s32 s4, s19  }
0x9c: {  	s7 =	simm.s32 $0x0;
	s20 =	sshll.u32 s5, $0x1;
	s5 =	sadd.s32 s21, s3  }
0x9d: {  	[timem:s7], [sflag:s22] =	dma.local [hbm:s5], s20  }
0x9e: {  	_ =	swait.ge [sflag:s22], s20  }
0x9f: {  	s4 =	ssub.s32 $0x0, s20;
	[sflag:s22] =	ssyncset.done $0x0  }
0xa0: {  	[sflag:s22] =	ssyncadd.s32 s4;
	_ =	sdelay $0x1  }
0xa1: {  	s23 =	simm.s32 $0x1B8B  }
0xa2: {  	_ =	swait.ge [sflag:s23], $0x1  }
0xa3: {  	[sflag:s23] =	ssyncset.done $0x0  }
0xa4: {  	s25 =	simm.s32 $0x1B8E;
	s24 =	sld [smem:$0x3FFE];
	[sflag:s23] =	ssyncadd.s32 $0xFFFFFFFF  }
0xa5: {  	s26 =	simm.s32 $execute0_lowered;
	[smem:$0x3FD2] =	sst s25  }
0xa6: {  	s5 =	sshll.u32 s26, $0x1;
	_ =	strace $0x80000046;
	[dreg:$0x1] =	wrdreg $0xFFFFFFFF  }
0xa7: {  	s28 =	simm.s32 $_size_execute0_lowered;
	s3 =	sadd.s32 s3, s5;
	[dreg:$0x0] =	wrdreg $0x0  }
0xa8: {  	s5 =	sshll.u32 s28, $0x1;
	[dreg:$0x2] =	wrdreg s3  }
0xa9: {  	[dreg:$0x3] =	wrdreg s5  }
0xaa: {  	[dreg:$0x4] =	wrdreg $0xC0  }
0xab: {  	_ =	task [dreg:s7], $0x5FFFF  }
0xac: {  	[dreg:$0x1] =	wrdreg $0xFFFFFFFF  }
0xad: {  	[dreg:$0x0] =	wrdreg $0x60  }
0xae: {  	[dreg:$0x2] =	wrdreg s2  }
0xaf: {  	[dreg:$0x3] =	wrdreg s24  }
0xb0: {  	[dreg:$0x4] =	wrdreg $0x9  }
0xb1: {  	_ =	task.clear_ibuf [dreg:s7], $0x5FFFF;
	_ =	strace $0x90000046  }
0xb2: {  	s29 =	simm.s32 $0x9;
	_ =	strace $0x80000048  }
0xb3: {  	_ =	swait.ge [sflag:s29], $0x1  }
0xb4: {  	[sflag:s29] =	ssyncadd.s32 $0xFFFFFFFF  }
0xb5: {  	_ =	strace $0x90000048  }
0xb6: {  	_ =	sfence  }
0xb7: {  	s30 =	sld [smem:$0x0];
	_ =	sdelay $0x2  }
0xb8: {  	s31 =	sshll.u32 s1, $0xD;
	s1 =	sshrl.u32 s1, $0x2  }
0xb9: {  	s3 =	sand.u32 $0x4000, s31;
	s1 =	sadd.s32 s1, s30  }
0xba: {  	s0 =	sor.u32 s3, s0;
	s1 =	sshll.u32 s1, $0x11  }
0xbb: {  	s0 =	sor.u32 s1, s0  }
0xbc: {  	s0 =	sadd.s32 $0x8F2B, s0  }
0xbd: {  	[sflag:s0] =	ssyncadd.remote.s32 $0x1  }
0xbe: {  	_ =	sfence.sel $0xFFFF  }
0xbf: {  	[dreg:$0x0] =	wrdreg $0xFFFFFFFF;
	(pc) =	sbr.abs _section_cstart, $3  }
0xc0: {  	[dreg:$0x1] =	wrdreg $0xFFFFFFFF  }
0xc1: {  	_ =	task.clear_ibuf [dreg:s7], $0x2FFFF;
	_ =	strace $0x9FFFFFFF  }
0xc2: {  	(tm) =	ssettm $0x7FFFFFFF  }
0xc3: {  	_ =	shalt  }
tec
execute0_lowered:
.L_overlay_start_1:
0x0: {  	(tag) =	ssettag $0x1  }
0x1: {  	s1 =	srdreg.scid  }
0x2: {  	s1 =	sand.u32 $0x1, s1  }
0x3: {  	p0 =	seq.s32 s1, $0x1  }
.Ltmp0:
0x4: {  	_ = 	snop;
	(pc) =	sbr.rel @p0 .LBB2_2-.Ltmp0, $4  }
0x5: {  	s4 =	rddreg [dreg:$0x0]  }
0x6: {  	s3 =	rddreg [dreg:$0x1];
	s2 =	simm.s32 $0x0  }
0x7: {  	[smem:$0x7FF] =	sst s2  }
0x8: {  	s0 =	rddreg [dreg:$0x2];
	_ =	strace $0x80000047;
	s1 =	stileid.u32  }
0x9: {  	[tilespmem:s2], [sflag:$0x1] =	stream.linear.gather [hbm4b:s4+s2], $0x4000, $0x38;
	[tilespmem:$0x4100] =	vst v63  }
0xa: {  	s25 =	simm.s32 $0x1  }
0xb: {  	s6 =	sshll.u32 s1, $0x4;
	s7 =	sshll.u32 s1, $0x7;
	_ =	swait.ge [sflag:s25], $0x4000  }
0xc: {  	s5 =	sand.u32 $0x70, s6;
	s8 =	sand.u32 $0x400, s7;
	[sflag:s25] =	ssyncset.done $0x0  }
0xd: {  	s5 =	sadd.s32 s5, s8;
	[sflag:s25] =	ssyncadd.s32 $0xFFFFC000  }
0xe: {  	v0 =	vld [tilespmem:s5+$0x0];
	_ =	sdelay $0x1  }
0xf: {  	v1 =	vld [tilespmem:s5+$0x80];
	_ =	sdelay $0x2  }
0x10: {  	v2 =	vld [tilespmem:s5+$0x100];
	vm0 =	vgt.f32 v0, $-3.000000010e+38  }
0x11: {  	v0 =	vnsel vm0, $0xFF61B1E6, v0  }
0x12: {  	vm1 =	vgt.f32 v1, $-3.000000010e+38;
	vm15 =	vgt.f32 v1, v0  }
0x13: {  	v4 =	vld [tilespmem:s5+$0x180];
	v3 =	vnsel vm1, $0xFF61B1E6, v1;
	vm0 =	vmneg vm15  }
0x14: {  	v3 =	vsel vm0, v3, v0  }
0x15: {  	v0 =	vsel vm0, v0, v1;
	vm13 =	vgt.f32 v2, v3  }
0x16: {  	v52 =	vld [tilespmem:s5+$0x200];
	vm2 =	vgt.f32 v2, v0;
	v51 =	vsel vm13, v2, v3  }
0x17: {  	v1 =	vsel vm2, v0, v51  }
0x18: {  	v0 =	vsel vm2, v2, v0;
	vm14 =	vgt.f32 v4, v1  }
0x19: {  	v53 =	vld [tilespmem:s5+$0x280];
	vm3 =	vgt.f32 v4, v0;
	v1 =	vsel vm14, v4, v1  }
0x1a: {  	v54 =	vimm.s32 $0x0;
	v56 =	vimm.s32 $0x0;
	v1 =	vsel vm3, v0, v1  }
0x1b: {  	v58 =	vimm.s32 $0x0;
	v0 =	vsel vm3, v4, v0;
	vm5 =	vgt.f32 v52, v1  }
0x1c: {  	v60 =	vimm.s32 $0x0;
	v55 =	vld [tilespmem:s5+$0x300];
	vm4 =	vgt.f32 v52, v0;
	v1 =	vsel vm5, v52, v1  }
0x1d: {  	v62 =	vimm.s32 $0x0;
	v7 =	vimm.s32 $0x0;
	s6 =	sor.u32 s7, s6;
	v1 =	vsel vm4, v0, v1  }
0x1e: {  	v9 =	vimm.s32 $0x0;
	s6 =	sor.u32 $0x380, s6;
	v0 =	vsel vm4, v52, v0;
	vm6 =	vgt.f32 v53, v1  }
0x1f: {  	v57 =	vld [tilespmem:s6+$0x0];
	v4 =	vsel vm5, $0xFFFFFFFF, v54;
	vm5 =	vgt.f32 v53, v0;
	v1 =	vsel vm6, v53, v1  }
0x20: {  	v11 =	vimm.s32 $0x0;
	v13 =	vimm.s32 $0x0;
	v1 =	vsel vm5, v0, v1  }
0x21: {  	v15 =	vimm.s32 $0x0;
	v0 =	vsel vm5, v53, v0;
	vm7 =	vgt.f32 v55, v1  }
0x22: {  	v59 =	vld [tilespmem:s5+$0x800];
	v3 =	vsel vm6, $0xFFFFFFFF, v56;
	vm6 =	vgt.f32 v55, v0;
	v1 =	vsel vm7, v55, v1  }
0x23: {  	v16 =	vimm.s32 $0x0;
	v19 =	vimm.s32 $0x0;
	v1 =	vsel vm6, v0, v1  }
0x24: {  	v22 =	vimm.s32 $0x0;
	v0 =	vsel vm6, v55, v0;
	vm8 =	vgt.f32 v57, v1  }
0x25: {  	v61 =	vld [tilespmem:s5+$0x880];
	v2 =	vsel vm7, $0xFFFFFFFF, v58;
	vm7 =	vgt.f32 v57, v0;
	v1 =	vsel vm8, v57, v1  }
0x26: {  	v25 =	vimm.s32 $0x0;
	v28 =	vimm.s32 $0x0;
	v1 =	vsel vm7, v0, v1  }
0x27: {  	v31 =	vimm.s32 $0x0;
	v0 =	vsel vm7, v57, v0;
	vm12 =	vgt.f32 v59, v1  }
0x28: {  	v63 =	vld [tilespmem:s5+$0x900];
	[tilespmem:$0x1FC90] =	vst v4;
	v4 =	vsel vm8, $0xFFFFFFFF, v60;
	vm8 =	vgt.f32 v59, v0;
	v1 =	vsel vm12, v59, v1  }
0x29: {  	v34 =	vimm.s32 $0x0;
	v37 =	vimm.s32 $0x0;
	v1 =	vsel vm8, v0, v1  }
0x2a: {  	v40 =	vimm.s32 $0x0;
	v0 =	vsel vm8, v59, v0;
	vm9 =	vgt.f32 v61, v1  }
0x2b: {  	v8 =	vld [tilespmem:s5+$0x980];
	[tilespmem:$0x1FCB0] =	vst v2;
	v2 =	vsel vm9, $0xFFFFFFFF, v7;
	v1 =	vsel vm9, v61, v1;
	vm9 =	vgt.f32 v61, v0  }
0x2c: {  	v43 =	vimm.s32 $0x0;
	v46 =	vimm.s32 $0x0;
	v1 =	vsel vm9, v0, v1  }
0x2d: {  	vm1 =	vmand vm1, vm0;
	v0 =	vsel vm9, v61, v0;
	vm10 =	vgt.f32 v63, v1  }
0x2e: {  	v10 =	vld [tilespmem:s5+$0xA00];
	[tilespmem:$0x1FCC0] =	vst v4;
	v4 =	vsel vm10, $0xFFFFFFFF, v9;
	v1 =	vsel vm10, v63, v1;
	vm10 =	vgt.f32 v63, v0  }
0x2f: {  	v49 =	vimm.s32 $0x0;
	v6 =	vsel vm1, $0x1, v16;
	v1 =	vsel vm10, v0, v1  }
0x30: {  	[tilespmem:$0x1FCA0] =	vst v3;
	v3 =	vsel vm12, $0xFFFFFFFF, v62;
	v0 =	vsel vm10, v63, v0;
	vm11 =	vgt.f32 v8, v1  }
0x31: {  	v12 =	vld [tilespmem:s5+$0xA80];
	[tilespmem:$0x1FCD0] =	vst v3;
	v3 =	vsel vm11, $0xFFFFFFFF, v11;
	v1 =	vsel vm11, v8, v1;
	vm11 =	vgt.f32 v8, v0  }
0x32: {  	v17 =	vsel vm13, $0x2, v6;
	v52 =	vimm.s32 $0x0;
	v1 =	vsel vm11, v0, v1  }
0x33: {  	v58 =	vimm.s32 $0x0;
	v0 =	vsel vm11, v8, v0;
	vm12 =	vgt.f32 v10, v1  }
0x34: {  	v14 =	vld [tilespmem:s5+$0xB00];
	[tilespmem:$0x1FCE0] =	vst v2;
	v2 =	vsel vm12, $0xFFFFFFFF, v13;
	v1 =	vsel vm12, v10, v1;
	vm12 =	vgt.f32 v10, v0  }
0x35: {  	v7 =	vimm.s32 $0x0;
	v61 =	vimm.s32 $0x0;
	v1 =	vsel vm12, v0, v1  }
0x36: {  	v11 =	vimm.s32 $0x0;
	v0 =	vsel vm12, v10, v0;
	vm0 =	vgt.f32 v12, v1  }
0x37: {  	v5 =	vld [tilespmem:s5+$0xB80];
	[tilespmem:$0x1FCF0] =	vst v4;
	v4 =	vsel vm0, $0xFFFFFFFF, v15;
	v1 =	vsel vm0, v12, v1;
	vm0 =	vgt.f32 v12, v0  }
0x38: {  	v8 =	vimm.s32 $0x0;
	v1 =	vsel vm0, v0, v1;
	v0 =	vsel vm0, v12, v0  }
0x39: {  	v23 =	vld [tilespmem:$0x1FC90];
	[tilespmem:$0x1FD20] =	vst v4;
	v4 =	vsel vm15, $0x1, v16;
	vm15 =	vgt.f32 v14, v1;
	vm1 =	vgt.f32 v14, v0  }
0x3a: {  	[tilespmem:$0x1FD00] =	vst v3;
	v3 =	vsel vm2, v4, v17;
	v4 =	vsel vm2, $0x2, v4;
	v1 =	vsel vm15, v14, v1  }
0x3b: {  	v18 =	vld [tilespmem:s5+$0x1000];
	v17 =	vimm.s32 $0x0;
	v20 =	vsel vm14, $0x3, v3;
	v1 =	vsel vm1, v0, v1  }
0x3c: {  	v26 =	vld [tilespmem:$0x1FCA0];
	v0 =	vsel vm1, v14, v0;
	v14 =	vimm.s32 $0x0;
	vm13 =	vgt.f32 v5, v1  }
0x3d: {  	[tilespmem:$0x1FD10] =	vst v2;
	vm2 =	vgt.f32 v5, v0;
	v2 =	vsel vm13, $0xFFFFFFFF, v19;
	v1 =	vsel vm13, v5, v1  }
0x3e: {  	vm13 =	vnez.u8 v23;
	v23 =	vimm.s32 $0x0;
	[tilespmem:$0x1FD30] =	vst v2;
	v2 =	vsel vm3, v4, v20  }
0x3f: {  	v29 =	vld [tilespmem:$0x1FCB0];
	v1 =	vsel vm2, v0, v1;
	v4 =	vsel vm3, $0x3, v4;
	v0 =	vsel vm2, v5, v0  }
0x40: {  	v21 =	vld [tilespmem:s5+$0x1080];
	v20 =	vimm.s32 $0x0;
	vm3 =	vgt.f32 v18, v1;
	v2 =	vsel vm13, $0x4, v2  }
0x41: {  	vm13 =	vnez.u8 v26;
	v26 =	vimm.s32 $0x0;
	v5 =	vsel vm3, $0xFFFFFFFF, v22  }
0x42: {  	v32 =	vld [tilespmem:$0x1FCC0];
	v1 =	vsel vm3, v18, v1;
	vm3 =	vgt.f32 v18, v0;
	v2 =	vsel vm4, v4, v2  }
0x43: {  	v4 =	vsel vm4, $0x4, v4;
	v1 =	vsel vm3, v0, v1;
	v0 =	vsel vm3, v18, v0  }
0x44: {  	v24 =	vld [tilespmem:s5+$0x1100];
	v2 =	vsel vm13, $0x5, v2;
	vm13 =	vnez.u8 v29;
	v29 =	vimm.s32 $0x0  }
0x45: {  	v35 =	vld [tilespmem:$0x1FCD0];
	vm4 =	vgt.f32 v21, v1;
	v2 =	vsel vm5, v4, v2;
	v4 =	vsel vm5, $0x5, v4  }
0x46: {  	v6 =	vsel vm4, $0xFFFFFFFF, v25;
	v1 =	vsel vm4, v21, v1;
	vm4 =	vgt.f32 v21, v0  }
0x47: {  	v27 =	vld [tilespmem:s5+$0x1180];
	v2 =	vsel vm13, $0x6, v2;
	vm13 =	vnez.u8 v32;
	v32 =	vimm.s32 $0x0  }
0x48: {  	v38 =	vld [tilespmem:$0x1FCE0];
	v1 =	vsel vm4, v0, v1;
	v0 =	vsel vm4, v21, v0;
	v2 =	vsel vm6, v4, v2  }
0x49: {  	v4 =	vsel vm6, $0x6, v4;
	vm5 =	vgt.f32 v24, v1;
	v2 =	vsel vm13, $0x7, v2  }
0x4a: {  	v41 =	vld [tilespmem:$0x1FCF0];
	vm13 =	vnez.u8 v35;
	v3 =	vsel vm5, $0xFFFFFFFF, v28;
	v1 =	vsel vm5, v24, v1  }
0x4b: {  	vm5 =	vgt.f32 v24, v0;
	v2 =	vsel vm7, v4, v2;
	v4 =	vsel vm7, $0x7, v4  }
0x4c: {  	v30 =	vld [tilespmem:s5+$0x1200];
	v1 =	vsel vm5, v0, v1;
	v0 =	vsel vm5, v24, v0;
	v2 =	vsel vm13, $0x8, v2  }
0x4d: {  	v44 =	vld [tilespmem:$0x1FD00];
	vm13 =	vnez.u8 v38;
	vm6 =	vgt.f32 v27, v1;
	v2 =	vsel vm8, v4, v2  }
0x4e: {  	[tilespmem:$0x1FD40] =	vst v5;
	v4 =	vsel vm8, $0x8, v4;
	v5 =	vsel vm6, $0xFFFFFFFF, v31;
	v1 =	vsel vm6, v27, v1  }
0x4f: {  	v33 =	vld [tilespmem:s5+$0x1280];
	vm6 =	vgt.f32 v27, v0;
	v2 =	vsel vm13, $0x9, v2;
	vm13 =	vnez.u8 v41  }
0x50: {  	v47 =	vld [tilespmem:$0x1FD10];
	v1 =	vsel vm6, v0, v1;
	v0 =	vsel vm6, v27, v0;
	v2 =	vsel vm9, v4, v2  }
0x51: {  	v4 =	vsel vm9, $0x9, v4;
	vm7 =	vgt.f32 v30, v1;
	v2 =	vsel vm13, $0xA, v2  }
0x52: {  	v50 =	vld [tilespmem:$0x1FD20];
	[tilespmem:$0x1FD50] =	vst v6;
	vm13 =	vnez.u8 v44;
	v6 =	vsel vm7, $0xFFFFFFFF, v34;
	v1 =	vsel vm7, v30, v1  }
0x53: {  	vm7 =	vgt.f32 v30, v0;
	v2 =	vsel vm10, v4, v2;
	v4 =	vsel vm10, $0xA, v4  }
0x54: {  	v36 =	vld [tilespmem:s5+$0x1300];
	v1 =	vsel vm7, v0, v1;
	v0 =	vsel vm7, v30, v0;
	v2 =	vsel vm13, $0xB, v2  }
0x55: {  	v56 =	vld [tilespmem:$0x1FD40];
	vm13 =	vnez.u8 v47;
	vm8 =	vgt.f32 v33, v1;
	v2 =	vsel vm11, v4, v2  }
0x56: {  	[tilespmem:$0x1FD60] =	vst v3;
	v4 =	vsel vm11, $0xB, v4;
	v3 =	vsel vm8, $0xFFFFFFFF, v37;
	v1 =	vsel vm8, v33, v1  }
0x57: {  	vm8 =	vgt.f32 v33, v0;
	v2 =	vsel vm13, $0xC, v2;
	vm13 =	vnez.u8 v50  }
0x58: {  	v39 =	vld [tilespmem:s5+$0x1380];
	v37 =	vimm.s32 $0x0;
	v1 =	vsel vm8, v0, v1;
	v0 =	vsel vm8, v33, v0  }
0x59: {  	v54 =	vld [tilespmem:$0x1FD30];
	v2 =	vsel vm12, v4, v2;
	v4 =	vsel vm12, $0xC, v4;
	vm9 =	vgt.f32 v36, v1  }
0x5a: {  	v2 =	vsel vm13, $0xD, v2;
	vm13 =	vnez.u8 v56;
	v56 =	vimm.s32 $0x0  }
0x5b: {  	[tilespmem:$0x1FD70] =	vst v5;
	v5 =	vsel vm9, $0xFFFFFFFF, v40;
	v1 =	vsel vm9, v36, v1;
	vm9 =	vgt.f32 v36, v0  }
0x5c: {  	v2 =	vsel vm0, v4, v2;
	v4 =	vsel vm0, $0xD, v4;
	v40 =	vimm.s32 $0x0  }
0x5d: {  	v42 =	vld [tilespmem:s5+$0x1800];
	v1 =	vsel vm9, v0, v1;
	v0 =	vsel vm9, v36, v0;
	v2 =	vsel vm15, $0xE, v2  }
0x5e: {  	v59 =	vld [tilespmem:$0x1FD50];
	vm15 =	vnez.u8 v54;
	vm10 =	vgt.f32 v39, v1;
	v2 =	vsel vm1, v4, v2  }
0x5f: {  	[tilespmem:$0x1FD80] =	vst v6;
	v4 =	vsel vm1, $0xE, v4;
	v6 =	vsel vm10, $0xFFFFFFFF, v43;
	v1 =	vsel vm10, v39, v1  }
0x60: {  	v45 =	vld [tilespmem:s5+$0x1880];
	vm10 =	vgt.f32 v39, v0;
	v2 =	vsel vm15, $0xF, v2;
	v43 =	vimm.s32 $0x0  }
0x61: {  	v62 =	vld [tilespmem:$0x1FD60];
	v1 =	vsel vm10, v0, v1;
	v0 =	vsel vm10, v39, v0;
	v2 =	vsel vm2, v4, v2  }
0x62: {  	v4 =	vsel vm2, $0xF, v4;
	vm11 =	vgt.f32 v42, v1;
	v2 =	vsel vm13, $0x10, v2  }
0x63: {  	[tilespmem:$0x1FD90] =	vst v3;
	vm13 =	vnez.u8 v59;
	v3 =	vsel vm11, $0xFFFFFFFF, v46;
	v1 =	vsel vm11, v42, v1  }
0x64: {  	v9 =	vld [tilespmem:$0x1FD70];
	vm11 =	vgt.f32 v42, v0;
	v2 =	vsel vm3, v4, v2;
	v4 =	vsel vm3, $0x10, v4  }
0x65: {  	v46 =	vimm.s32 $0x0;
	v1 =	vsel vm11, v0, v1;
	v0 =	vsel vm11, v42, v0  }
0x66: {  	v48 =	vld [tilespmem:s5+$0x1900];
	v2 =	vsel vm13, $0x11, v2;
	vm13 =	vnez.u8 v62;
	vm12 =	vgt.f32 v45, v1  }
0x67: {  	v12 =	vld [tilespmem:$0x1FD80];
	[tilespmem:$0x1FDA0] =	vst v5;
	v2 =	vsel vm4, v4, v2;
	v4 =	vsel vm4, $0x11, v4;
	v5 =	vsel vm12, $0xFFFFFFFF, v49  }
0x68: {  	v1 =	vsel vm12, v45, v1;
	vm12 =	vgt.f32 v45, v0;
	v2 =	vsel vm13, $0x12, v2  }
0x69: {  	v51 =	vld [tilespmem:s5+$0x1980];
	vm13 =	vnez.u8 v9;
	v49 =	vimm.s32 $0x0;
	v1 =	vsel vm12, v0, v1  }
0x6a: {  	v15 =	vld [tilespmem:$0x1FD90];
	v0 =	vsel vm12, v45, v0;
	v2 =	vsel vm5, v4, v2;
	v4 =	vsel vm5, $0x12, v4  }
0x6b: {  	vm14 =	vgt.f32 v48, v1;
	vm0 =	vgt.f32 v48, v0;
	v2 =	vsel vm13, $0x13, v2  }
0x6c: {  	v18 =	vld [tilespmem:$0x1FDA0];
	[tilespmem:$0x1FDB0] =	vst v6;
	vm13 =	vnez.u8 v12;
	v6 =	vsel vm14, $0xFFFFFFFF, v52;
	v1 =	vsel vm14, v48, v1  }
0x6d: {  	v2 =	vsel vm6, v4, v2;
	v4 =	vsel vm6, $0x13, v4;
	v52 =	vimm.s32 $0x0  }
0x6e: {  	v53 =	vld [tilespmem:s5+$0x1A00];
	v1 =	vsel vm0, v0, v1;
	v0 =	vsel vm0, v48, v0;
	v2 =	vsel vm13, $0x14, v2  }
0x6f: {  	v21 =	vld [tilespmem:$0x1FDB0];
	vm13 =	vnez.u8 v15;
	vm14 =	vgt.f32 v51, v1;
	vm1 =	vgt.f32 v51, v0  }
0x70: {  	v2 =	vsel vm7, v4, v2;
	v4 =	vsel vm7, $0x14, v4;
	v1 =	vsel vm14, v51, v1  }
0x71: {  	v55 =	vld [tilespmem:s5+$0x1A80];
	v2 =	vsel vm13, $0x15, v2;
	vm13 =	vnez.u8 v18;
	v18 =	vimm.s32 $0x0  }
0x72: {  	[tilespmem:$0x1FDC0] =	vst v3;
	v1 =	vsel vm1, v0, v1;
	v0 =	vsel vm1, v51, v0;
	v2 =	vsel vm8, v4, v2  }
0x73: {  	v24 =	vld [tilespmem:$0x1FDC0];
	v4 =	vsel vm8, $0x15, v4;
	vm15 =	vgt.f32 v53, v1;
	vm2 =	vgt.f32 v53, v0  }
0x74: {  	v57 =	vld [tilespmem:s5+$0x1B00];
	v2 =	vsel vm13, $0x16, v2;
	vm13 =	vnez.u8 v21;
	v1 =	vsel vm15, v53, v1  }
0x75: {  	v21 =	vimm.s32 $0x0;
	v2 =	vsel vm9, v4, v2;
	v1 =	vsel vm2, v0, v1  }
0x76: {  	v4 =	vsel vm9, $0x16, v4;
	v0 =	vsel vm2, v53, v0;
	vm3 =	vgt.f32 v55, v1  }
0x77: {  	v60 =	vld [tilespmem:s5+$0x1B80];
	[tilespmem:$0x1FDE0] =	vst v6;
	v6 =	vsel vm3, $0xFFFFFFFF, v58;
	v1 =	vsel vm3, v55, v1;
	vm3 =	vgt.f32 v55, v0  }
0x78: {  	[tilespmem:$0x1FDD0] =	vst v5;
	v2 =	vsel vm13, $0x17, v2;
	vm13 =	vnez.u8 v24;
	v1 =	vsel vm3, v0, v1  }
0x79: {  	v27 =	vld [tilespmem:$0x1FDD0];
	v53 =	vimm.s32 $0x0;
	v0 =	vsel vm3, v55, v0;
	vm4 =	vgt.f32 v57, v1  }
0x7a: {  	v63 =	vld [tilespmem:s5+$0x2000];
	v3 =	vsel vm4, $0xFFFFFFFF, v61;
	v1 =	vsel vm4, v57, v1;
	vm4 =	vgt.f32 v57, v0  }
0x7b: {  	v24 =	vimm.s32 $0x0;
	v2 =	vsel vm10, v4, v2;
	v1 =	vsel vm4, v0, v1  }
0x7c: {  	v4 =	vsel vm10, $0x17, v4;
	v0 =	vsel vm4, v57, v0;
	vm5 =	vgt.f32 v60, v1  }
0x7d: {  	v10 =	vld [tilespmem:s5+$0x2080];
	v5 =	vsel vm5, $0xFFFFFFFF, v8;
	v1 =	vsel vm5, v60, v1;
	vm5 =	vgt.f32 v60, v0  }
0x7e: {  	v2 =	vsel vm13, $0x18, v2;
	vm13 =	vnez.u8 v27;
	v1 =	vsel vm5, v0, v1  }
0x7f: {  	v30 =	vld [tilespmem:$0x1FDE0];
	v27 =	vimm.s32 $0x0;
	v0 =	vsel vm5, v60, v0;
	vm6 =	vgt.f32 v63, v1  }
0x80: {  	v13 =	vld [tilespmem:s5+$0x2100];
	[tilespmem:$0x1FDF0] =	vst v6;
	v6 =	vsel vm6, $0xFFFFFFFF, v11;
	v1 =	vsel vm6, v63, v1;
	vm6 =	vgt.f32 v63, v0  }
0x81: {  	v2 =	vsel vm11, v4, v2;
	v4 =	vsel vm11, $0x18, v4;
	v1 =	vsel vm6, v0, v1  }
0x82: {  	v2 =	vsel vm13, $0x19, v2;
	v0 =	vsel vm6, v63, v0;
	vm7 =	vgt.f32 v10, v1  }
0x83: {  	v16 =	vld [tilespmem:s5+$0x2180];
	[tilespmem:$0x1FE00] =	vst v3;
	v3 =	vsel vm7, $0xFFFFFFFF, v14;
	v1 =	vsel vm7, v10, v1;
	vm7 =	vgt.f32 v10, v0  }
0x84: {  	vm13 =	vnez.u8 v30;
	v2 =	vsel vm12, v4, v2;
	v1 =	vsel vm7, v0, v1  }
0x85: {  	v4 =	vsel vm12, $0x19, v4;
	v0 =	vsel vm7, v10, v0;
	vm8 =	vgt.f32 v13, v1  }
0x86: {  	v19 =	vld [tilespmem:s5+$0x2200];
	[tilespmem:$0x1FE10] =	vst v5;
	v5 =	vsel vm8, $0xFFFFFFFF, v17;
	v1 =	vsel vm8, v13, v1;
	vm8 =	vgt.f32 v13, v0  }
0x87: {  	v2 =	vsel vm13, $0x1A, v2;
	v57 =	vimm.s32 $0x0;
	v1 =	vsel vm8, v0, v1  }
0x88: {  	v2 =	vsel vm0, v4, v2;
	v0 =	vsel vm8, v13, v0;
	vm9 =	vgt.f32 v16, v1  }
0x89: {  	v22 =	vld [tilespmem:s5+$0x2280];
	[tilespmem:$0x1FE20] =	vst v6;
	v6 =	vsel vm9, $0xFFFFFFFF, v20;
	v1 =	vsel vm9, v16, v1;
	vm9 =	vgt.f32 v16, v0  }
0x8a: {  	v4 =	vsel vm0, $0x1A, v4;
	v2 =	vsel vm14, $0x1B, v2;
	v1 =	vsel vm9, v0, v1  }
0x8b: {  	v2 =	vsel vm1, v4, v2;
	v0 =	vsel vm9, v16, v0;
	vm10 =	vgt.f32 v19, v1  }
0x8c: {  	v25 =	vld [tilespmem:s5+$0x2300];
	[tilespmem:$0x1FE30] =	vst v3;
	v3 =	vsel vm10, $0xFFFFFFFF, v23;
	v1 =	vsel vm10, v19, v1;
	vm10 =	vgt.f32 v19, v0  }
0x8d: {  	v4 =	vsel vm1, $0x1B, v4;
	v60 =	vimm.s32 $0x0;
	v1 =	vsel vm10, v0, v1  }
0x8e: {  	v2 =	vsel vm15, $0x1C, v2;
	v0 =	vsel vm10, v19, v0;
	vm11 =	vgt.f32 v22, v1  }
0x8f: {  	v28 =	vld [tilespmem:s5+$0x2380];
	[tilespmem:$0x1FE40] =	vst v5;
	v5 =	vsel vm11, $0xFFFFFFFF, v26;
	v1 =	vsel vm11, v22, v1;
	vm11 =	vgt.f32 v22, v0  }
0x90: {  	v35 =	vld [tilespmem:$0x1FDF0];
	v2 =	vsel vm2, v4, v2;
	v4 =	vsel vm2, $0x1C, v4;
	v1 =	vsel vm11, v0, v1  }
0x91: {  	v31 =	vld [tilespmem:s5+$0x2800];
	v11 =	vimm.s32 $0x0;
	v0 =	vsel vm11, v22, v0;
	vm12 =	vgt.f32 v25, v1  }
0x92: {  	v38 =	vld [tilespmem:$0x1FE00];
	[tilespmem:$0x1FE50] =	vst v6;
	v6 =	vsel vm12, $0xFFFFFFFF, v29;
	v1 =	vsel vm12, v25, v1;
	vm12 =	vgt.f32 v25, v0  }
0x93: {  	v63 =	vimm.s32 $0x0;
	v1 =	vsel vm12, v0, v1;
	v0 =	vsel vm12, v25, v0  }
0x94: {  	v14 =	vimm.s32 $0x0;
	vm13 =	vgt.f32 v28, v1;
	vm0 =	vgt.f32 v28, v0  }
0x95: {  	v41 =	vld [tilespmem:$0x1FE10];
	[tilespmem:$0x1FE60] =	vst v3;
	v3 =	vsel vm13, $0xFFFFFFFF, v32;
	v1 =	vsel vm13, v28, v1;
	vm13 =	vnez.u8 v35  }
0x96: {  	v33 =	vld [tilespmem:s5+$0x2880];
	v1 =	vsel vm0, v0, v1;
	v0 =	vsel vm0, v28, v0;
	v2 =	vsel vm13, $0x1D, v2  }
0x97: {  	vm13 =	vnez.u8 v38;
	vm14 =	vgt.f32 v31, v1;
	vm1 =	vgt.f32 v31, v0  }
0x98: {  	v44 =	vld [tilespmem:$0x1FE20];
	v2 =	vsel vm3, v4, v2;
	v4 =	vsel vm3, $0x1D, v4;
	v1 =	vsel vm14, v31, v1  }
0x99: {  	v34 =	vld [tilespmem:s5+$0x2900];
	v2 =	vsel vm13, $0x1E, v2;
	v1 =	vsel vm1, v0, v1;
	v0 =	vsel vm1, v31, v0  }
0x9a: {  	v47 =	vld [tilespmem:$0x1FE30];
	v2 =	vsel vm4, v4, v2;
	v4 =	vsel vm4, $0x1E, v4;
	vm4 =	vnez.u8 v41  }
0x9b: {  	vm15 =	vgt.f32 v33, v1;
	vm2 =	vgt.f32 v33, v0;
	v2 =	vsel vm4, $0x1F, v2  }
0x9c: {  	v50 =	vld [tilespmem:$0x1FE40];
	v1 =	vsel vm15, v33, v1;
	v2 =	vsel vm5, v4, v2;
	v4 =	vsel vm5, $0x1F, v4  }
0x9d: {  	v36 =	vld [tilespmem:s5+$0x2980];
	vm5 =	vnez.u8 v44;
	v1 =	vsel vm2, v0, v1;
	v0 =	vsel vm2, v33, v0  }
0x9e: {  	v54 =	vld [tilespmem:$0x1FE50];
	v2 =	vsel vm5, $0x20, v2;
	vm3 =	vgt.f32 v34, v1;
	vm13 =	vgt.f32 v34, v0  }
0x9f: {  	v2 =	vsel vm6, v4, v2;
	v4 =	vsel vm6, $0x20, v4;
	vm6 =	vnez.u8 v47  }
0xa0: {  	[tilespmem:$0x1FE90] =	vst v3;
	v3 =	vsel vm3, $0xFFFFFFFF, v37;
	v1 =	vsel vm3, v34, v1;
	v2 =	vsel vm6, $0x21, v2  }
0xa1: {  	v39 =	vld [tilespmem:s5+$0x2A00];
	vm6 =	vnez.u8 v50;
	v1 =	vsel vm13, v0, v1;
	v0 =	vsel vm13, v34, v0  }
0xa2: {  	v58 =	vld [tilespmem:$0x1FE60];
	v2 =	vsel vm7, v4, v2;
	v4 =	vsel vm7, $0x21, v4;
	vm3 =	vgt.f32 v36, v1  }
0xa3: {  	[tilespmem:$0x1FE70] =	vst v5;
	v2 =	vsel vm6, $0x22, v2;
	vm6 =	vnez.u8 v54;
	v5 =	vsel vm3, $0xFFFFFFFF, v40  }
0xa4: {  	v42 =	vld [tilespmem:s5+$0x2A80];
	v1 =	vsel vm3, v36, v1;
	vm3 =	vgt.f32 v36, v0;
	v2 =	vsel vm8, v4, v2  }
0xa5: {  	v61 =	vld [tilespmem:$0x1FE70];
	v4 =	vsel vm8, $0x22, v4;
	v1 =	vsel vm3, v0, v1;
	v2 =	vsel vm6, $0x23, v2  }
0xa6: {  	v0 =	vsel vm3, v36, v0;
	vm4 =	vgt.f32 v39, v1;
	v2 =	vsel vm9, v4, v2  }
0xa7: {  	[tilespmem:$0x1FE80] =	vst v6;
	v4 =	vsel vm9, $0x23, v4;
	vm9 =	vnez.u8 v58;
	v6 =	vsel vm4, $0xFFFFFFFF, v43  }
0xa8: {  	v45 =	vld [tilespmem:s5+$0x2B00];
	v1 =	vsel vm4, v39, v1;
	vm4 =	vgt.f32 v39, v0;
	v2 =	vsel vm9, $0x24, v2  }
0xa9: {  	v1 =	vsel vm4, v0, v1;
	v0 =	vsel vm4, v39, v0;
	v2 =	vsel vm10, v4, v2  }
0xaa: {  	v4 =	vsel vm10, $0x24, v4;
	vm10 =	vnez.u8 v61;
	vm5 =	vgt.f32 v42, v1  }
0xab: {  	v48 =	vld [tilespmem:s5+$0x2B80];
	[tilespmem:$0x1FEA0] =	vst v3;
	v3 =	vsel vm5, $0xFFFFFFFF, v46;
	v1 =	vsel vm5, v42, v1;
	vm5 =	vgt.f32 v42, v0  }
0xac: {  	v16 =	vimm.s32 $0x0;
	v9 =	vld [tilespmem:$0x1FE80];
	v2 =	vsel vm10, $0x25, v2;
	v1 =	vsel vm5, v0, v1  }
0xad: {  	v7 =	vsel vm5, $0xFFFFFFFF, v7;
	v0 =	vsel vm5, v42, v0;
	vm5 =	vgt.f32 v45, v1  }
0xae: {  	v51 =	vld [tilespmem:s5+$0x3000];
	[tilespmem:$0x1FEB0] =	vst v5;
	v5 =	vsel vm5, $0xFFFFFFFF, v49;
	v1 =	vsel vm5, v45, v1;
	vm5 =	vgt.f32 v45, v0  }
0xaf: {  	v2 =	vsel vm11, v4, v2;
	v4 =	vsel vm11, $0x25, v4;
	v1 =	vsel vm5, v0, v1  }
0xb0: {  	v12 =	vld [tilespmem:$0x1FE90];
	[tilespmem:$0x1FEE0] =	vst v7;
	v7 =	vsel vm5, $0xFFFFFFFF, v52;
	v0 =	vsel vm5, v45, v0;
	vm5 =	vgt.f32 v48, v1  }
0xb1: {  	v55 =	vld [tilespmem:s5+$0x3080];
	vm11 =	vnez.u8 v9;
	vm8 =	vgt.f32 v48, v0;
	v1 =	vsel vm5, v48, v1  }
0xb2: {  	v35 =	vimm.s32 $0x0;
	v2 =	vsel vm11, $0x26, v2;
	v1 =	vsel vm8, v0, v1  }
0xb3: {  	[tilespmem:$0x1FEC0] =	vst v6;
	v6 =	vsel vm5, $0xFFFFFFFF, v53;
	v0 =	vsel vm8, v48, v0;
	vm5 =	vgt.f32 v51, v1  }
0xb4: {  	v59 =	vld [tilespmem:s5+$0x3100];
	v2 =	vsel vm12, v4, v2;
	vm9 =	vgt.f32 v51, v0;
	v1 =	vsel vm5, v51, v1  }
0xb5: {  	v4 =	vsel vm12, $0x26, v4;
	vm12 =	vnez.u8 v12;
	v1 =	vsel vm9, v0, v1  }
0xb6: {  	[tilespmem:$0x1FED0] =	vst v3;
	v3 =	vsel vm5, $0xFFFFFFFF, v57;
	v0 =	vsel vm9, v51, v0;
	vm5 =	vgt.f32 v55, v1  }
0xb7: {  	v62 =	vld [tilespmem:s5+$0x3180];
	v2 =	vsel vm12, $0x27, v2;
	vm10 =	vgt.f32 v55, v0;
	v1 =	vsel vm5, v55, v1  }
0xb8: {  	v31 =	vimm.s32 $0x0;
	v2 =	vsel vm0, v4, v2;
	v1 =	vsel vm10, v0, v1  }
0xb9: {  	[tilespmem:$0x1FEF0] =	vst v5;
	v5 =	vsel vm5, $0xFFFFFFFF, v60;
	v0 =	vsel vm10, v55, v0;
	vm5 =	vgt.f32 v59, v1  }
0xba: {  	v10 =	vld [tilespmem:s5+$0x3200];
	v4 =	vsel vm0, $0x27, v4;
	vm11 =	vgt.f32 v59, v0;
	v1 =	vsel vm5, v59, v1  }
0xbb: {  	v19 =	vld [tilespmem:$0x1FEA0];
	[tilespmem:$0x1FF00] =	vst v7;
	v2 =	vsel vm14, $0x28, v2;
	v7 =	vsel vm8, $0xFFFFFFFF, v56;
	v1 =	vsel vm11, v0, v1  }
0xbc: {  	[tilespmem:$0x1FF10] =	vst v6;
	v6 =	vsel vm5, $0xFFFFFFFF, v63;
	v0 =	vsel vm11, v59, v0;
	vm5 =	vgt.f32 v62, v1  }
0xbd: {  	v13 =	vld [tilespmem:s5+$0x3280];
	v2 =	vsel vm1, v4, v2;
	vm12 =	vgt.f32 v62, v0;
	v1 =	vsel vm5, v62, v1  }
0xbe: {  	v4 =	vsel vm1, $0x28, v4;
	v2 =	vsel vm15, $0x29, v2;
	v1 =	vsel vm12, v0, v1  }
0xbf: {  	v15 =	vld [tilespmem:s5+$0x3300];
	[tilespmem:$0x1FF30] =	vst v3;
	v3 =	vsel vm5, $0xFFFFFFFF, v11;
	v0 =	vsel vm12, v62, v0;
	vm5 =	vgt.f32 v10, v1  }
0xc0: {  	v22 =	vld [tilespmem:$0x1FEB0];
	vm8 =	vnez.u8 v19;
	vm14 =	vgt.f32 v10, v0;
	v1 =	vsel vm5, v10, v1  }
0xc1: {  	v2 =	vsel vm2, v4, v2;
	v4 =	vsel vm2, $0x29, v4;
	v1 =	vsel vm14, v0, v1  }
0xc2: {  	v2 =	vsel vm8, $0x2A, v2;
	v0 =	vsel vm14, v10, v0;
	vm6 =	vgt.f32 v13, v1  }
0xc3: {  	v17 =	vld [tilespmem:s5+$0x3380];
	v2 =	vsel vm13, v4, v2;
	vm15 =	vgt.f32 v13, v0;
	v1 =	vsel vm6, v13, v1  }
0xc4: {  	v4 =	vsel vm13, $0x2A, v4;
	[tilespmem:$0x1FF40] =	vst v5;
	v5 =	vsel vm5, $0xFFFFFFFF, v14;
	v1 =	vsel vm15, v0, v1  }
0xc5: {  	v25 =	vld [tilespmem:$0x1FEC0];
	vm5 =	vnez.u8 v22;
	v0 =	vsel vm15, v13, v0;
	vm7 =	vgt.f32 v15, v1  }
0xc6: {  	v28 =	vld [tilespmem:$0x1FED0];
	v2 =	vsel vm5, $0x2B, v2;
	vm8 =	vgt.f32 v15, v0;
	v1 =	vsel vm7, v15, v1  }
0xc7: {  	v20 =	vld [tilespmem:s5+$0x3800];
	v2 =	vsel vm3, v4, v2;
	v4 =	vsel vm3, $0x2B, v4;
	v1 =	vsel vm8, v0, v1  }
0xc8: {  	[tilespmem:$0x1FF50] =	vst v6;
	v6 =	vsel vm6, $0xFFFFFFFF, v16;
	v0 =	vsel vm8, v15, v0;
	vm13 =	vgt.f32 v17, v1  }
0xc9: {  	v30 =	vld [tilespmem:$0x1FEE0];
	[tilespmem:$0x1FF60] =	vst v3;
	v3 =	vsel vm7, $0xFFFFFFFF, v18;
	vm7 =	vgt.f32 v17, v0;
	v1 =	vsel vm13, v17, v1  }
0xca: {  	v23 =	vld [tilespmem:s5+$0x3880];
	[tilespmem:$0x1FF70] =	vst v5;
	v5 =	vsel vm13, $0xFFFFFFFF, v21;
	vm13 =	vnez.u8 v25;
	v1 =	vsel vm7, v0, v1  }
0xcb: {  	v0 =	vsel vm7, v17, v0;
	v2 =	vsel vm13, $0x2C, v2;
	vm13 =	vnez.u8 v28  }
0xcc: {  	v32 =	vld [tilespmem:$0x1FEF0];
	vm6 =	vgt.f32 v20, v1;
	v2 =	vsel vm4, v4, v2;
	v4 =	vsel vm4, $0x2C, v4  }
0xcd: {  	v26 =	vld [tilespmem:s5+$0x3900];
	[tilespmem:$0x1FF80] =	vst v6;
	v6 =	vsel vm6, $0xFFFFFFFF, v24;
	v1 =	vsel vm6, v20, v1;
	vm6 =	vgt.f32 v20, v0  }
0xce: {  	v34 =	vld [tilespmem:$0x1FF00];
	vm4 =	vnez.u8 v30;
	v2 =	vsel vm13, $0x2D, v2;
	v1 =	vsel vm6, v0, v1  }
0xcf: {  	v0 =	vsel vm6, v20, v0;
	v2 =	vsel vm4, v4, v2;
	vm5 =	vgt.f32 v23, v1  }
0xd0: {  	v36 =	vld [tilespmem:$0x1FF10];
	[tilespmem:$0x1FF90] =	vst v3;
	v3 =	vsel vm5, $0xFFFFFFFF, v27;
	v1 =	vsel vm5, v23, v1;
	vm5 =	vgt.f32 v23, v0  }
0xd1: {  	v29 =	vld [tilespmem:s5+$0x3980];
	[tilespmem:$0x1FF20] =	vst v7;
	v4 =	vsel vm4, $0x2D, v4;
	vm4 =	vnez.u8 v32;
	v1 =	vsel vm5, v0, v1  }
0xd2: {  	v38 =	vld [tilespmem:$0x1FF20];
	v2 =	vsel vm4, $0x2E, v2;
	v0 =	vsel vm5, v23, v0;
	vm13 =	vgt.f32 v26, v1  }
0xd3: {  	[tilespmem:$0x1FFA0] =	vst v5;
	v5 =	vsel vm13, $0xFFFFFFFF, v31;
	v1 =	vsel vm13, v26, v1;
	vm13 =	vnez.u8 v34  }
0xd4: {  	v39 =	vimm.s32 $0x0;
	v40 =	vld [tilespmem:$0x1FF30];
	vm4 =	vgt.f32 v26, v0;
	v2 =	vsel vm13, v4, v2  }
0xd5: {  	v33 =	vld [tilespmem:s5+$0x3A00];
	v1 =	vsel vm4, v0, v1;
	v4 =	vsel vm13, $0x2E, v4;
	vm13 =	vnez.u8 v36  }
0xd6: {  	v42 =	vld [tilespmem:$0x1FF40];
	v0 =	vsel vm4, v26, v0;
	vm1 =	vgt.f32 v29, v1;
	v2 =	vsel vm13, $0x2F, v2  }
0xd7: {  	[tilespmem:$0x1FFB0] =	vst v6;
	vm3 =	vgt.f32 v29, v0;
	vm13 =	vnez.u8 v38;
	v6 =	vsel vm1, $0xFFFFFFFF, v35  }
0xd8: {  	v44 =	vld [tilespmem:$0x1FF50];
	v1 =	vsel vm1, v29, v1;
	v2 =	vsel vm13, v4, v2;
	v4 =	vsel vm13, $0x2F, v4  }
0xd9: {  	v37 =	vld [tilespmem:s5+$0x3A80];
	vm13 =	vnez.u8 v40;
	v1 =	vsel vm3, v0, v1;
	v0 =	vsel vm3, v29, v0  }
0xda: {  	v2 =	vsel vm13, $0x30, v2;
	vm1 =	vgt.f32 v33, v1;
	vm2 =	vgt.f32 v33, v0  }
0xdb: {  	v2 =	vsel vm9, v4, v2;
	v4 =	vsel vm9, $0x30, v4;
	vm9 =	vnez.u8 v42  }
0xdc: {  	v41 =	vld [tilespmem:s5+$0x3B00];
	[tilespmem:$0x1FFC0] =	vst v3;
	v3 =	vsel vm1, $0xFFFFFFFF, v39;
	v1 =	vsel vm1, v33, v1;
	v2 =	vsel vm9, $0x31, v2  }
0xdd: {  	v45 =	vld [tilespmem:$0x1FF60];
	vm9 =	vnez.u8 v44;
	v1 =	vsel vm2, v0, v1;
	v0 =	vsel vm2, v33, v0  }
0xde: {  	v2 =	vsel vm10, v4, v2;
	v4 =	vsel vm10, $0x31, v4;
	vm13 =	vgt.f32 v37, v1  }
0xdf: {  	v43 =	vld [tilespmem:s5+$0x3B80];
	vm1 =	vgt.f32 v37, v0;
	v2 =	vsel vm9, $0x32, v2;
	v1 =	vsel vm13, v37, v1  }
0xe0: {  	v2 =	vsel vm11, v4, v2;
	v1 =	vsel vm1, v0, v1  }
0xe1: {  	v47 =	vld [tilespmem:$0x1FF70];
	v4 =	vsel vm11, $0x32, v4;
	v0 =	vsel vm1, v37, v0;
	vm10 =	vgt.f32 v41, v1  }
0xe2: {  	vm11 =	vnez.u8 v45;
	vm0 =	vgt.f32 v41, v0;
	v1 =	vsel vm10, v41, v1  }
0xe3: {  	v50 =	vld [tilespmem:$0x1FF80];
	v2 =	vsel vm11, $0x33, v2;
	v1 =	vsel vm0, v0, v1  }
0xe4: {  	v46 =	vsel vm12, $0x33, v4;
	v0 =	vsel vm0, v41, v0;
	vm9 =	vgt.f32 v43, v1  }
0xe5: {  	v51 =	vld [tilespmem:$0x1FF90];
	v2 =	vsel vm12, v4, v2;
	vm11 =	vgt.f32 v43, v0;
	v1 =	vsel vm9, v43, v1  }
0xe6: {  	vm12 =	vnez.u8 v47;
	v1 =	vsel vm11, v0, v1;
	v0 =	vsel vm11, v43, v0  }
0xe7: {  	v54 =	vld [tilespmem:$0x1FFA0];
	v2 =	vsel vm12, $0x34, v2;
	v0 =	vsub.f32 v1, v0  }
0xe8: {  	vm12 =	vnez.u8 v50;
	v48 =	vsel vm14, v46, v2  }
0xe9: {  	v55 =	vld [tilespmem:$0x1FFB0];
	v49 =	vsel vm14, $0x34, v46;
	v1 =	vsel vm12, $0x35, v48;
	v0 =	vmul.f32 $1.442695020e+00, v0  }
0xea: {  	vm12 =	vnez.u8 v51;
	v1 =	vsel vm15, v49, v1  }
0xeb: {  	v56 =	vld [tilespmem:$0x1FFC0];
	v2 =	vsel vm15, $0x35, v49;
	v1 =	vsel vm12, $0x36, v1;
	(erf) = vpow2.f32 v0  }
0xec: {  	[tilespmem:$0x1FFD0] =	vst v5;
	vm12 =	vnez.u8 v54;
	v52 =	vsel vm8, v2, v1  }
0xed: {  	v57 =	vld [tilespmem:$0x1FFD0];
	v53 =	vsel vm8, $0x36, v2;
	v0 =	vsel vm12, $0x37, v52  }
0xee: {  	[tilespmem:$0x1FFE0] =	vst v6;
	vm14 =	vnez.u8 v55;
	v0 =	vsel vm7, v53, v0  }
0xef: {  	v59 =	vld [tilespmem:$0x1FFE0];
	v1 =	vsel vm7, $0x37, v53;
	v0 =	vsel vm14, $0x38, v0  }
0xf0: {  	[tilespmem:$0x1FFF0] =	vst v3;
	vm15 =	vnez.u8 v56;
	v0 =	vsel vm6, v1, v0  }
0xf1: {  	v60 =	vld [tilespmem:$0x1FFF0];
	v1 =	vsel vm6, $0x38, v1;
	v0 =	vsel vm15, $0x39, v0  }
0xf2: {  	vm12 =	vnez.u8 v57;
	v0 =	vsel vm5, v1, v0  }
0xf3: {  	v1 =	vsel vm5, $0x39, v1;
	v0 =	vsel vm12, $0x3A, v0  }
0xf4: {  	vm14 =	vnez.u8 v59;
	v0 =	vsel vm4, v1, v0;
	v58 =	vpop (erf)  }
0xf5: {  	v1 =	vsel vm4, $0x3A, v1;
	v0 =	vsel vm14, $0x3B, v0;
	v2 =	vadd.f32 $1.000000000e+00, v58  }
0xf6: {  	vm15 =	vnez.u8 v60;
	v0 =	vsel vm3, v1, v0  }
0xf7: {  	v1 =	vsel vm3, $0x3B, v1;
	v0 =	vsel vm15, $0x3C, v0;
	(erf) = vrcp.f32 v2  }
0xf8: {  	v0 =	vsel vm2, v1, v0  }
0xf9: {  	v1 =	vsel vm2, $0x3C, v1;
	v0 =	vsel vm13, $0x3D, v0  }
0xfa: {  	v0 =	vsel vm1, v1, v0  }
0xfb: {  	v1 =	vsel vm1, $0x3D, v1;
	v0 =	vsel vm10, $0x3E, v0  }
0xfc: {  	v0 =	vsel vm0, v1, v0;
	v1 =	vsel vm0, $0x3E, v1  }
0xfd: {  	v0 =	vsel vm9, $0x3F, v0;
	v61 =	vshll.u32 v1, $0x6  }
0xfe: {  	v0 =	vsel vm11, v1, v0;
	v62 =	vsel vm11, $0xFC0, v61  }
0xff: {  	v0 =	vadd.s32 v62, v0  }
0x100: {  	s26 =	sadd.s32 $0x1200, s3;
	s28 =	sshll.u32 s1, $0x1;
	[tilespmem:$0x4000] =	vst v0;
	v63 =	vpop (erf)  }
0x101: {  	s29 =	simm.s32 $0x4000;
	s5 =	sadd.s32 s26, s28;
	[tilespmem:$0x4080] =	vst v63  }
0x102: {  	[hbm4b:s5+s2] =	stream.linear.scatter [tilespmem:s29], [sflag:$0x1], $0x10, $0x38;
	[tilespmem:$0x4100] =	vst v63  }
0x103: {  	_ =	swait.ge [sflag:s25], $0x10  }
0x104: {  	s30 =	sadd.s32 $0x1000, s3;
	[sflag:s25] =	ssyncset.done $0x0  }
0x105: {  	s31 =	simm.s32 $0x4080;
	s3 =	sadd.s32 s30, s28;
	[sflag:s25] =	ssyncadd.s32 $0xFFFFFFF0  }
0x106: {  	[hbm4b:s3+s2] =	stream.linear.scatter [tilespmem:s31], [sflag:$0x1], $0x10, $0x38;
	[tilespmem:$0x4100] =	vst v63  }
0x107: {  	_ =	swait.ge [sflag:s25], $0x10  }
0x108: {  	[sflag:s25] =	ssyncset.done $0x0  }
0x109: {  	[sflag:s25] =	ssyncadd.s32 $0xFFFFFFF0  }
.LBB2_2:
0x10a: {  	_ =	sfence.sel $0x180000  }
0x10b: {  	[bflag:$0x0] =	sbarrier.arrive $0xFFFF  }
0x10c: {  	p0 =	sne.s32 s1, $0x0;
	_ =	strace $0x90000047  }
0x10d: {  	s0 =	sadd.s32 @!p0 $0x100000, s0;
	[bflag:$0x2] =	sbarrier.arrive $0xFFFF  }
0x10e: {  	[sflag:s0] =	ssyncadd.tile.s32 @!p0 $0x1;
	_ =	shalt  }
.Lfunc_end2:
_tile_overlayer_lowered:
.L_overlay_start_2:
0x10f: {  	(tag) =	ssettag $0x2  }
0x110: {  	s0 =	rddreg [dreg:$0x0];
	s2 =	stileid.u32  }
0x111: {  	s1 =	rddreg [dreg:$0x1];
	p0 =	sne.s32 s2, $0x0  }
0x112: {  	s3 =	rddreg [dreg:$0x2];
	[bflag:$0x3] =	sbarrier.arrive $0xFFFF;
	s2 =	simm.s32 @!p0 $0x1C01  }
0x113: {  	[timem:s3], [sflag:s2] =	dma.local @!p0 [hbm:s0], s1  }
0x114: {  	s0 =	simm.s32 @!p0 $0x1  }
0x115: {  	_ =	swait.ge @!p0 [sflag:s0], s1  }
0x116: {  	s1 =	ssub.s32 @!p0 $0x0, s1;
	[sflag:s0] =	ssyncset.done @!p0 $0x0  }
0x117: {  	[sflag:s0] =	ssyncadd.s32 @!p0 s1  }
0x118: {  	[bflag:$0x3] =	sbarrier.arrive $0xFFFF  }
0x119: {  	_ =	shalt  }

</sc_bundles>
